<compile_context>
chip_gen: v7x
topology: tpu7x:2x2x1
jax: 0.10.2.dev20260603
libtpu: 0.0.44.dev20260713+nightly
codegen_flags: <defaults>
</compile_context>

<pallas_src>
import functools

import jax
import jax.numpy as jnp
from jax import lax
from jax.experimental import pallas as pl
from jax.experimental.pallas import tpu as pltpu
from jax.experimental.pallas import tpu_sc as plsc

N = 10000
E = 320000
D = 128

NC = 2
NS = 16
NW = NC * NS
B = 125
K = E // (NW * B)
RPT = N // NS
DPT = 640
NDEG = NS * DPT
DW = 16


def _sc_aggregate(x, edge3, zeros_deg, ones_col):
    mesh = plsc.VectorSubcoreMesh(core_axis_name="c", subcore_axis_name="s")

    @functools.partial(
        pl.kernel,
        mesh=mesh,
        out_type=(
            jax.ShapeDtypeStruct((N, D), jnp.bfloat16),
            jax.ShapeDtypeStruct((N, D), jnp.bfloat16),
            jax.ShapeDtypeStruct((NDEG, DW), jnp.float32),
            jax.ShapeDtypeStruct((NDEG, DW), jnp.float32),
        ),
        scratch_types=[
            pltpu.VMEM((4, B), jnp.int32),
            pltpu.VMEM((4, B), jnp.int32),
            pltpu.VMEM((B, D), jnp.bfloat16),
            pltpu.VMEM((B, D), jnp.bfloat16),
            pltpu.VMEM((B, DW), jnp.float32),
            pltpu.VMEM_SHARED((N, D), jnp.bfloat16),
            pltpu.VMEM_SHARED((NDEG, DW), jnp.float32),
            pltpu.SemaphoreType.DMA,
            pltpu.SemaphoreType.DMA,
            pltpu.SemaphoreType.DMA,
            pltpu.SemaphoreType.DMA,
            pltpu.SemaphoreType.DMA,
            pltpu.SemaphoreType.DMA,
            pltpu.SemaphoreType.DMA,
        ],
        compiler_params=pltpu.CompilerParams(use_tc_tiling_on_sc=False),
    )
    def sc_kernel(x_hbm, e_hbm, zd_hbm, ones_hbm,
                  acc0_out, acc1_out, deg0_out, deg1_out,
                  src_v, dst_v, rows_a, rows_b, ones_v,
                  acc_sh, deg_sh, sem_a, sem_b, sem_d,
                  sem_i0, sem_i1, sem_i2, sem_i3):
        c = lax.axis_index("c")
        s = lax.axis_index("s")
        w = s * NC + c

        pltpu.sync_copy(ones_hbm, ones_v)
        sem_i = [sem_i0, sem_i1, sem_i2, sem_i3]
        rows = [rows_a, rows_b]
        sem_r = [sem_a, sem_b]
        e0 = w * K

        def fetch_idx(chunk, row, sem):
            pltpu.async_copy(e_hbm.at[0, chunk], src_v.at[row], sem)
            pltpu.async_copy(e_hbm.at[1, chunk], dst_v.at[row], sem)

        def wait_idx(row, sem):
            pltpu.make_async_copy(e_hbm.at[0, 0], src_v.at[row], sem).wait()
            pltpu.make_async_copy(e_hbm.at[1, 0], dst_v.at[row], sem).wait()

        for t in range(4):
            fetch_idx(e0 + t, t, sem_i[t])
        wait_idx(0, sem_i[0])
        pltpu.async_copy(x_hbm.at[src_v.at[0]], rows_a, sem_a)
        def zrow(r, carry):
            for k2 in range(D // 32):
                rows_b[r, pl.ds(32 * k2, 32)] = jnp.zeros((32,),
                                                          jnp.bfloat16)
            return carry

        lax.fori_loop(0, B, zrow, 0)
        for q in range(RPT // B):
            pltpu.async_copy(rows_b,
                             acc_sh.at[pl.ds(s * RPT + q * B, B)], sem_d)
        pltpu.async_copy(zd_hbm.at[pl.ds(s * DPT, DPT)],
                         deg_sh.at[pl.ds(s * DPT, DPT)], sem_b)
        for q in range(RPT // B):
            pltpu.make_async_copy(rows_b,
                                  acc_sh.at[pl.ds(s * RPT + q * B, B)],
                                  sem_d).wait()
        pltpu.make_async_copy(zd_hbm.at[pl.ds(s * DPT, DPT)],
                              deg_sh.at[pl.ds(s * DPT, DPT)], sem_b).wait()
        wait_idx(1, sem_i[1])
        pltpu.async_copy(x_hbm.at[src_v.at[1]], rows_b, sem_b)
        plsc.subcore_barrier()

        def body(i, carry):
            j0 = 4 * i
            for t in range(4):
                j = j0 + t
                buf = rows[t % 2]
                sem = sem_r[t % 2]
                pltpu.make_async_copy(x_hbm.at[src_v.at[t]], buf, sem).wait()
                pltpu.async_copy(ones_v, deg_sh.at[dst_v.at[t]], sem_d,
                                 add=True)
                pltpu.sync_copy(buf, acc_sh.at[dst_v.at[t]], add=True)
                pltpu.make_async_copy(ones_v, deg_sh.at[dst_v.at[t]],
                                      sem_d).wait()
                @pl.when(j + 4 < K)
                def _():
                    fetch_idx(e0 + j + 4, t, sem_i[t])

                @pl.when(j + 2 < K)
                def _():
                    wait_idx((t + 2) % 4, sem_i[(t + 2) % 4])
                    pltpu.async_copy(x_hbm.at[src_v.at[(t + 2) % 4]],
                                     buf, sem)
            return carry

        lax.fori_loop(0, K // 4, body, 0)
        plsc.subcore_barrier()

        @pl.when(c == 0)
        def _():
            pltpu.async_copy(acc_sh.at[pl.ds(s * RPT, RPT)],
                             acc0_out.at[pl.ds(s * RPT, RPT)], sem_a)
            pltpu.async_copy(deg_sh.at[pl.ds(s * DPT, DPT)],
                             deg0_out.at[pl.ds(s * DPT, DPT)], sem_b)
            pltpu.make_async_copy(acc_sh.at[pl.ds(s * RPT, RPT)],
                                  acc0_out.at[pl.ds(s * RPT, RPT)],
                                  sem_a).wait()
            pltpu.make_async_copy(deg_sh.at[pl.ds(s * DPT, DPT)],
                                  deg0_out.at[pl.ds(s * DPT, DPT)],
                                  sem_b).wait()

        @pl.when(c == 1)
        def _():
            pltpu.async_copy(acc_sh.at[pl.ds(s * RPT, RPT)],
                             acc1_out.at[pl.ds(s * RPT, RPT)], sem_a)
            pltpu.async_copy(deg_sh.at[pl.ds(s * DPT, DPT)],
                             deg1_out.at[pl.ds(s * DPT, DPT)], sem_b)
            pltpu.make_async_copy(acc_sh.at[pl.ds(s * RPT, RPT)],
                                  acc1_out.at[pl.ds(s * RPT, RPT)],
                                  sem_a).wait()
            pltpu.make_async_copy(deg_sh.at[pl.ds(s * DPT, DPT)],
                                  deg1_out.at[pl.ds(s * DPT, DPT)],
                                  sem_b).wait()

    return sc_kernel(x, edge3, zeros_deg, ones_col)


def _finalize(a0, a1, d0, d1, x, W_msg, W_self, b2):
    BN = 2000
    grid = (N // BN,)

    def tc_kernel(a0_ref, a1_ref, d0_ref, d1_ref, x_ref, wm_ref, ws_ref,
                  b_ref, o_ref):
        deg = d0_ref[:, 0:1] + d1_ref[:, 0:1]
        asum = (a0_ref[...].astype(jnp.float32) +
                a1_ref[...].astype(jnp.float32))
        agg = asum * (1.0 / jnp.maximum(deg, 1.0))
        out = jnp.dot(agg, wm_ref[...], preferred_element_type=jnp.float32)
        out = out + jnp.dot(x_ref[...], ws_ref[...],
                            preferred_element_type=jnp.float32)
        o_ref[...] = jnp.maximum(out + b_ref[...], 0.0)

    return pl.pallas_call(
        tc_kernel,
        grid=grid,
        in_specs=[
            pl.BlockSpec((BN, D), lambda i: (i, 0)),
            pl.BlockSpec((BN, D), lambda i: (i, 0)),
            pl.BlockSpec((BN, DW), lambda i: (i, 0)),
            pl.BlockSpec((BN, DW), lambda i: (i, 0)),
            pl.BlockSpec((BN, D), lambda i: (i, 0)),
            pl.BlockSpec((D, D), lambda i: (0, 0)),
            pl.BlockSpec((D, D), lambda i: (0, 0)),
            pl.BlockSpec((1, D), lambda i: (0, 0)),
        ],
        out_specs=pl.BlockSpec((BN, D), lambda i: (i, 0)),
        out_shape=jax.ShapeDtypeStruct((N, D), jnp.float32),
    )(a0, a1, d0, d1, x, W_msg, W_self, b2)


def kernel(x, edge_index, W_msg, W_self, b):
    xb = x.astype(jnp.bfloat16)
    edge3 = edge_index.reshape(2, NW * K, B)
    zeros_deg = jnp.zeros((NDEG, DW), jnp.float32)
    ones_col = jnp.ones((B, DW), jnp.float32)
    a0, a1, dg0, dg1 = _sc_aggregate(xb, edge3, zeros_deg, ones_col)
    return _finalize(a0, a1, dg0, dg1, x, W_msg, W_self, b.reshape(1, D))

# --- scband reference (transcript-rebuilt; emitter-appended) ---
"""Pipeline reference for scband-cross-med4-85177791414322 (READ-ONLY COPY).

The authoritative reference and input builder live on the scoring server;
editing this copy changes nothing except your own understanding.
"""

import jax, jax.numpy as jnp
import numpy as np

N = 10000
E = 320000
D = 128

def setup_inputs(seed: int = 0) -> dict:
    key = jax.random.key(seed)
    k1, k2, k3, k4 = jax.random.split(key, 4)
    x = jax.random.normal(k1, (N, D), dtype=jnp.float32)
    edge_index = jax.random.randint(k2, (2, E), 0, N, dtype=jnp.int32)
    W_msg = jax.random.normal(k3, (D, D), dtype=jnp.float32) * (1.0 / np.sqrt(D))
    W_self = jax.random.normal(k4, (D, D), dtype=jnp.float32) * (1.0 / np.sqrt(D))
    b = jnp.zeros((D,), dtype=jnp.float32)
    return {"x": x, "edge_index": edge_index, "W_msg": W_msg, "W_self": W_self, "b": b}

def reference(x, edge_index, W_msg, W_self, b):
    # Hetero-GNN mean-aggregation message passing core of CrossMed4's self.gnn modules:
    # gather source node states along edges, mean-reduce into destination nodes,
    # then combine aggregated neighborhood with self state through linear maps + ReLU.
    src = edge_index[0]
    dst = edge_index[1]
    msgs = jnp.take(x, src, axis=0)                                  # gather  [E, D]
    agg = jax.ops.segment_sum(msgs, dst, num_segments=x.shape[0])     # scatter-add [N, D]
    deg = jax.ops.segment_sum(jnp.ones((msgs.shape[0],), jnp.float32), dst, num_segments=x.shape[0])
    agg = agg / jnp.clip(deg, 1.0)[:, None]
    out = jax.nn.relu(agg @ W_msg + x @ W_self + b)
    return out

if __name__ == "__main__":
    import jax
    _d = setup_inputs()
    print(jax.jit(kernel)(*tuple(_d.values())))

</pallas_src>

<mosaic_0001>
#map = affine_map<(d0, d1) -> (0, 0)>
#map1 = affine_map<(d0, d1) -> (0, 0, 0)>
module attributes {stable_mosaic.version = 14 : i64} {
  func.func @sc_kernel(%arg0: i32, %arg1: i32, %arg2: memref<10000x128xbf16, #tpu.memory_space<hbm>>, %arg3: memref<2x2560x125xi32, #tpu.memory_space<hbm>>, %arg4: memref<10240x16xf32, #tpu.memory_space<hbm>>, %arg5: memref<125x16xf32, #tpu.memory_space<hbm>>, %arg6: memref<10000x128xbf16, #tpu.memory_space<hbm>>, %arg7: memref<10000x128xbf16, #tpu.memory_space<hbm>>, %arg8: memref<10240x16xf32, #tpu.memory_space<hbm>>, %arg9: memref<10240x16xf32, #tpu.memory_space<hbm>>, %arg10: memref<4x125xi32, #tpu.memory_space<vmem>>, %arg11: memref<4x125xi32, #tpu.memory_space<vmem>>, %arg12: memref<125x128xbf16, #tpu.memory_space<vmem>>, %arg13: memref<125x128xbf16, #tpu.memory_space<vmem>>, %arg14: memref<125x16xf32, #tpu.memory_space<vmem>>, %arg15: memref<10000x128xbf16, #tpu.memory_space<vmem_shared>>, %arg16: memref<10240x16xf32, #tpu.memory_space<vmem_shared>>, %arg17: memref<!tpu.dma_semaphore, #tpu.memory_space<semaphore_mem>>, %arg18: memref<!tpu.dma_semaphore, #tpu.memory_space<semaphore_mem>>, %arg19: memref<!tpu.dma_semaphore, #tpu.memory_space<semaphore_mem>>, %arg20: memref<!tpu.dma_semaphore, #tpu.memory_space<semaphore_mem>>, %arg21: memref<!tpu.dma_semaphore, #tpu.memory_space<semaphore_mem>>, %arg22: memref<!tpu.dma_semaphore, #tpu.memory_space<semaphore_mem>>, %arg23: memref<!tpu.dma_semaphore, #tpu.memory_space<semaphore_mem>>) attributes {dimension_semantics = [#tpu.dimension_semantics<core_parallel>, #tpu.dimension_semantics<subcore_parallel>], iteration_bounds = array<i64: 2, 16>, scalar_prefetch = 0 : i64, scratch_operands = 14 : i64, tpu.core_type = #tpu.core_type<sc_vector_subcore>, window_params = [{transform_indices = #map}, {transform_indices = #map1}, {transform_indices = #map}, {transform_indices = #map}, {transform_indices = #map}, {transform_indices = #map}, {transform_indices = #map}, {transform_indices = #map}]} {
    %mul3A = arith.constant 2 : i32
    %mul3A_0 = arith.muli %arg1, %mul3A : i32
    %add3A = arith.addi %mul3A_0, %arg0 : i32
    "tpu.region"() ({
      %run_scoped3A = tpu.sem_alloc : memref<!tpu.dma_semaphore, #tpu.memory_space<semaphore_mem>>
      tpu.enqueue_dma source(%arg5 : memref<125x16xf32, #tpu.memory_space<hbm>>) target(%arg14 : memref<125x16xf32, #tpu.memory_space<vmem>>) target_semaphore(%run_scoped3A : memref<!tpu.dma_semaphore, #tpu.memory_space<semaphore_mem>>)
      tpu.wait_dma2 semaphore(%run_scoped3A : memref<!tpu.dma_semaphore, #tpu.memory_space<semaphore_mem>>) src(%arg5 : memref<125x16xf32, #tpu.memory_space<hbm>>) dst(%arg14 : memref<125x16xf32, #tpu.memory_space<vmem>>)
      tpu.yield
    }) : () -> ()
    %mul3A_1 = arith.constant 80 : i32
    %mul3A_2 = arith.muli %add3A, %mul3A_1 : i32
    %add3A_3 = arith.constant 0 : i32
    %add3A_4 = arith.addi %mul3A_2, %add3A_3 : i32
    %dma_start3A = arith.constant 0 : i32
    %dma_start3A_5 = arith.constant 0 : i32
    %dma_start3A_6 = arith.constant 0 : i32
    %dma_start3A_7 = tpu.memref_slice %arg10[%dma_start3A_5, %dma_start3A_6] : memref<4x125xi32, #tpu.memory_space<vmem>> -> memref<1x125xi32, #tpu.memory_space<vmem>>
    %dma_start3A_8 = tpu.memref_squeeze %dma_start3A_7 : memref<1x125xi32, #tpu.memory_space<vmem>> -> memref<125xi32, #tpu.memory_space<vmem>>
    %dma_start3A_9 = arith.constant 0 : i32
    %dma_start3A_10 = tpu.memref_slice %arg3[%dma_start3A, %add3A_4, %dma_start3A_9] : memref<2x2560x125xi32, #tpu.memory_space<hbm>> -> memref<1x1x125xi32, #tpu.memory_space<hbm>>
    %dma_start3A_11 = tpu.memref_squeeze %dma_start3A_10 : memref<1x1x125xi32, #tpu.memory_space<hbm>> -> memref<125xi32, #tpu.memory_space<hbm>>
    %dma_start3A_12 = arith.constant 0 : i32
    %dma_start3A_13 = tpu.memref_slice %arg10[%dma_start3A_5, %dma_start3A_12] : memref<4x125xi32, #tpu.memory_space<vmem>> -> memref<1x125xi32, #tpu.memory_space<vmem>>
    %dma_start3A_14 = tpu.memref_squeeze %dma_start3A_13 : memref<1x125xi32, #tpu.memory_space<vmem>> -> memref<125xi32, #tpu.memory_space<vmem>>
    %dma_start3A_15 = arith.constant 0 : i32
    %dma_start3A_16 = tpu.memref_slice %arg3[%dma_start3A, %add3A_4, %dma_start3A_15] : memref<2x2560x125xi32, #tpu.memory_space<hbm>> -> memref<1x1x125xi32, #tpu.memory_space<hbm>>
    %dma_start3A_17 = tpu.memref_squeeze %dma_start3A_16 : memref<1x1x125xi32, #tpu.memory_space<hbm>> -> memref<125xi32, #tpu.memory_space<hbm>>
    tpu.enqueue_dma source(%dma_start3A_17 : memref<125xi32, #tpu.memory_space<hbm>>) target(%dma_start3A_14 : memref<125xi32, #tpu.memory_space<vmem>>) target_semaphore(%arg20 : memref<!tpu.dma_semaphore, #tpu.memory_space<semaphore_mem>>)
    %dma_start3A_18 = arith.constant 1 : i32
    %dma_start3A_19 = arith.constant 0 : i32
    %dma_start3A_20 = arith.constant 0 : i32
    %dma_start3A_21 = tpu.memref_slice %arg11[%dma_start3A_19, %dma_start3A_20] : memref<4x125xi32, #tpu.memory_space<vmem>> -> memref<1x125xi32, #tpu.memory_space<vmem>>
    %dma_start3A_22 = tpu.memref_squeeze %dma_start3A_21 : memref<1x125xi32, #tpu.memory_space<vmem>> -> memref<125xi32, #tpu.memory_space<vmem>>
    %dma_start3A_23 = arith.constant 0 : i32
    %dma_start3A_24 = tpu.memref_slice %arg3[%dma_start3A_18, %add3A_4, %dma_start3A_23] : memref<2x2560x125xi32, #tpu.memory_space<hbm>> -> memref<1x1x125xi32, #tpu.memory_space<hbm>>
    %dma_start3A_25 = tpu.memref_squeeze %dma_start3A_24 : memref<1x1x125xi32, #tpu.memory_space<hbm>> -> memref<125xi32, #tpu.memory_space<hbm>>
    %dma_start3A_26 = arith.constant 0 : i32
    %dma_start3A_27 = tpu.memref_slice %arg11[%dma_start3A_19, %dma_start3A_26] : memref<4x125xi32, #tpu.memory_space<vmem>> -> memref<1x125xi32, #tpu.memory_space<vmem>>
    %dma_start3A_28 = tpu.memref_squeeze %dma_start3A_27 : memref<1x125xi32, #tpu.memory_space<vmem>> -> memref<125xi32, #tpu.memory_space<vmem>>
    %dma_start3A_29 = arith.constant 0 : i32
    %dma_start3A_30 = tpu.memref_slice %arg3[%dma_start3A_18, %add3A_4, %dma_start3A_29] : memref<2x2560x125xi32, #tpu.memory_space<hbm>> -> memref<1x1x125xi32, #tpu.memory_space<hbm>>
    %dma_start3A_31 = tpu.memref_squeeze %dma_start3A_30 : memref<1x1x125xi32, #tpu.memory_space<hbm>> -> memref<125xi32, #tpu.memory_space<hbm>>
    tpu.enqueue_dma source(%dma_start3A_31 : memref<125xi32, #tpu.memory_space<hbm>>) target(%dma_start3A_28 : memref<125xi32, #tpu.memory_space<vmem>>) target_semaphore(%arg20 : memref<!tpu.dma_semaphore, #tpu.memory_space<semaphore_mem>>)
    %add3A_32 = arith.constant 1 : i32
    %add3A_33 = arith.addi %mul3A_2, %add3A_32 : i32
    %dma_start3A_34 = arith.constant 0 : i32
    %dma_start3A_35 = arith.constant 1 : i32
    %dma_start3A_36 = arith.constant 0 : i32
    %dma_start3A_37 = tpu.memref_slice %arg10[%dma_start3A_35, %dma_start3A_36] : memref<4x125xi32, #tpu.memory_space<vmem>> -> memref<1x125xi32, #tpu.memory_space<vmem>>
    %dma_start3A_38 = tpu.memref_squeeze %dma_start3A_37 : memref<1x125xi32, #tpu.memory_space<vmem>> -> memref<125xi32, #tpu.memory_space<vmem>>
    %dma_start3A_39 = arith.constant 0 : i32
    %dma_start3A_40 = tpu.memref_slice %arg3[%dma_start3A_34, %add3A_33, %dma_start3A_39] : memref<2x2560x125xi32, #tpu.memory_space<hbm>> -> memref<1x1x125xi32, #tpu.memory_space<hbm>>
    %dma_start3A_41 = tpu.memref_squeeze %dma_start3A_40 : memref<1x1x125xi32, #tpu.memory_space<hbm>> -> memref<125xi32, #tpu.memory_space<hbm>>
    %dma_start3A_42 = arith.constant 0 : i32
    %dma_start3A_43 = tpu.memref_slice %arg10[%dma_start3A_35, %dma_start3A_42] : memref<4x125xi32, #tpu.memory_space<vmem>> -> memref<1x125xi32, #tpu.memory_space<vmem>>
    %dma_start3A_44 = tpu.memref_squeeze %dma_start3A_43 : memref<1x125xi32, #tpu.memory_space<vmem>> -> memref<125xi32, #tpu.memory_space<vmem>>
    %dma_start3A_45 = arith.constant 0 : i32
    %dma_start3A_46 = tpu.memref_slice %arg3[%dma_start3A_34, %add3A_33, %dma_start3A_45] : memref<2x2560x125xi32, #tpu.memory_space<hbm>> -> memref<1x1x125xi32, #tpu.memory_space<hbm>>
    %dma_start3A_47 = tpu.memref_squeeze %dma_start3A_46 : memref<1x1x125xi32, #tpu.memory_space<hbm>> -> memref<125xi32, #tpu.memory_space<hbm>>
    tpu.enqueue_dma source(%dma_start3A_47 : memref<125xi32, #tpu.memory_space<hbm>>) target(%dma_start3A_44 : memref<125xi32, #tpu.memory_space<vmem>>) target_semaphore(%arg21 : memref<!tpu.dma_semaphore, #tpu.memory_space<semaphore_mem>>)
    %dma_start3A_48 = arith.constant 1 : i32
    %dma_start3A_49 = arith.constant 1 : i32
    %dma_start3A_50 = arith.constant 0 : i32
    %dma_start3A_51 = tpu.memref_slice %arg11[%dma_start3A_49, %dma_start3A_50] : memref<4x125xi32, #tpu.memory_space<vmem>> -> memref<1x125xi32, #tpu.memory_space<vmem>>
    %dma_start3A_52 = tpu.memref_squeeze %dma_start3A_51 : memref<1x125xi32, #tpu.memory_space<vmem>> -> memref<125xi32, #tpu.memory_space<vmem>>
    %dma_start3A_53 = arith.constant 0 : i32
    %dma_start3A_54 = tpu.memref_slice %arg3[%dma_start3A_48, %add3A_33, %dma_start3A_53] : memref<2x2560x125xi32, #tpu.memory_space<hbm>> -> memref<1x1x125xi32, #tpu.memory_space<hbm>>
    %dma_start3A_55 = tpu.memref_squeeze %dma_start3A_54 : memref<1x1x125xi32, #tpu.memory_space<hbm>> -> memref<125xi32, #tpu.memory_space<hbm>>
    %dma_start3A_56 = arith.constant 0 : i32
    %dma_start3A_57 = tpu.memref_slice %arg11[%dma_start3A_49, %dma_start3A_56] : memref<4x125xi32, #tpu.memory_space<vmem>> -> memref<1x125xi32, #tpu.memory_space<vmem>>
    %dma_start3A_58 = tpu.memref_squeeze %dma_start3A_57 : memref<1x125xi32, #tpu.memory_space<vmem>> -> memref<125xi32, #tpu.memory_space<vmem>>
    %dma_start3A_59 = arith.constant 0 : i32
    %dma_start3A_60 = tpu.memref_slice %arg3[%dma_start3A_48, %add3A_33, %dma_start3A_59] : memref<2x2560x125xi32, #tpu.memory_space<hbm>> -> memref<1x1x125xi32, #tpu.memory_space<hbm>>
    %dma_start3A_61 = tpu.memref_squeeze %dma_start3A_60 : memref<1x1x125xi32, #tpu.memory_space<hbm>> -> memref<125xi32, #tpu.memory_space<hbm>>
    tpu.enqueue_dma source(%dma_start3A_61 : memref<125xi32, #tpu.memory_space<hbm>>) target(%dma_start3A_58 : memref<125xi32, #tpu.memory_space<vmem>>) target_semaphore(%arg21 : memref<!tpu.dma_semaphore, #tpu.memory_space<semaphore_mem>>)
    %add3A_62 = arith.constant 2 : i32
    %add3A_63 = arith.addi %mul3A_2, %add3A_62 : i32
    %dma_start3A_64 = arith.constant 0 : i32
    %dma_start3A_65 = arith.constant 2 : i32
    %dma_start3A_66 = arith.constant 0 : i32
    %dma_start3A_67 = tpu.memref_slice %arg10[%dma_start3A_65, %dma_start3A_66] : memref<4x125xi32, #tpu.memory_space<vmem>> -> memref<1x125xi32, #tpu.memory_space<vmem>>
    %dma_start3A_68 = tpu.memref_squeeze %dma_start3A_67 : memref<1x125xi32, #tpu.memory_space<vmem>> -> memref<125xi32, #tpu.memory_space<vmem>>
    %dma_start3A_69 = arith.constant 0 : i32
    %dma_start3A_70 = tpu.memref_slice %arg3[%dma_start3A_64, %add3A_63, %dma_start3A_69] : memref<2x2560x125xi32, #tpu.memory_space<hbm>> -> memref<1x1x125xi32, #tpu.memory_space<hbm>>
    %dma_start3A_71 = tpu.memref_squeeze %dma_start3A_70 : memref<1x1x125xi32, #tpu.memory_space<hbm>> -> memref<125xi32, #tpu.memory_space<hbm>>
    %dma_start3A_72 = arith.constant 0 : i32
    %dma_start3A_73 = tpu.memref_slice %arg10[%dma_start3A_65, %dma_start3A_72] : memref<4x125xi32, #tpu.memory_space<vmem>> -> memref<1x125xi32, #tpu.memory_space<vmem>>
    %dma_start3A_74 = tpu.memref_squeeze %dma_start3A_73 : memref<1x125xi32, #tpu.memory_space<vmem>> -> memref<125xi32, #tpu.memory_space<vmem>>
    %dma_start3A_75 = arith.constant 0 : i32
    %dma_start3A_76 = tpu.memref_slice %arg3[%dma_start3A_64, %add3A_63, %dma_start3A_75] : memref<2x2560x125xi32, #tpu.memory_space<hbm>> -> memref<1x1x125xi32, #tpu.memory_space<hbm>>
    %dma_start3A_77 = tpu.memref_squeeze %dma_start3A_76 : memref<1x1x125xi32, #tpu.memory_space<hbm>> -> memref<125xi32, #tpu.memory_space<hbm>>
    tpu.enqueue_dma source(%dma_start3A_77 : memref<125xi32, #tpu.memory_space<hbm>>) target(%dma_start3A_74 : memref<125xi32, #tpu.memory_space<vmem>>) target_semaphore(%arg22 : memref<!tpu.dma_semaphore, #tpu.memory_space<semaphore_mem>>)
    %dma_start3A_78 = arith.constant 1 : i32
    %dma_start3A_79 = arith.constant 2 : i32
    %dma_start3A_80 = arith.constant 0 : i32
    %dma_start3A_81 = tpu.memref_slice %arg11[%dma_start3A_79, %dma_start3A_80] : memref<4x125xi32, #tpu.memory_space<vmem>> -> memref<1x125xi32, #tpu.memory_space<vmem>>
    %dma_start3A_82 = tpu.memref_squeeze %dma_start3A_81 : memref<1x125xi32, #tpu.memory_space<vmem>> -> memref<125xi32, #tpu.memory_space<vmem>>
    %dma_start3A_83 = arith.constant 0 : i32
    %dma_start3A_84 = tpu.memref_slice %arg3[%dma_start3A_78, %add3A_63, %dma_start3A_83] : memref<2x2560x125xi32, #tpu.memory_space<hbm>> -> memref<1x1x125xi32, #tpu.memory_space<hbm>>
    %dma_start3A_85 = tpu.memref_squeeze %dma_start3A_84 : memref<1x1x125xi32, #tpu.memory_space<hbm>> -> memref<125xi32, #tpu.memory_space<hbm>>
    %dma_start3A_86 = arith.constant 0 : i32
    %dma_start3A_87 = tpu.memref_slice %arg11[%dma_start3A_79, %dma_start3A_86] : memref<4x125xi32, #tpu.memory_space<vmem>> -> memref<1x125xi32, #tpu.memory_space<vmem>>
    %dma_start3A_88 = tpu.memref_squeeze %dma_start3A_87 : memref<1x125xi32, #tpu.memory_space<vmem>> -> memref<125xi32, #tpu.memory_space<vmem>>
    %dma_start3A_89 = arith.constant 0 : i32
    %dma_start3A_90 = tpu.memref_slice %arg3[%dma_start3A_78, %add3A_63, %dma_start3A_89] : memref<2x2560x125xi32, #tpu.memory_space<hbm>> -> memref<1x1x125xi32, #tpu.memory_space<hbm>>
    %dma_start3A_91 = tpu.memref_squeeze %dma_start3A_90 : memref<1x1x125xi32, #tpu.memory_space<hbm>> -> memref<125xi32, #tpu.memory_space<hbm>>
    tpu.enqueue_dma source(%dma_start3A_91 : memref<125xi32, #tpu.memory_space<hbm>>) target(%dma_start3A_88 : memref<125xi32, #tpu.memory_space<vmem>>) target_semaphore(%arg22 : memref<!tpu.dma_semaphore, #tpu.memory_space<semaphore_mem>>)
    %add3A_92 = arith.constant 3 : i32
    %add3A_93 = arith.addi %mul3A_2, %add3A_92 : i32
    %dma_start3A_94 = arith.constant 0 : i32
    %dma_start3A_95 = arith.constant 3 : i32
    %dma_start3A_96 = arith.constant 0 : i32
    %dma_start3A_97 = tpu.memref_slice %arg10[%dma_start3A_95, %dma_start3A_96] : memref<4x125xi32, #tpu.memory_space<vmem>> -> memref<1x125xi32, #tpu.memory_space<vmem>>
    %dma_start3A_98 = tpu.memref_squeeze %dma_start3A_97 : memref<1x125xi32, #tpu.memory_space<vmem>> -> memref<125xi32, #tpu.memory_space<vmem>>
    %dma_start3A_99 = arith.constant 0 : i32
    %dma_start3A_100 = tpu.memref_slice %arg3[%dma_start3A_94, %add3A_93, %dma_start3A_99] : memref<2x2560x125xi32, #tpu.memory_space<hbm>> -> memref<1x1x125xi32, #tpu.memory_space<hbm>>
    %dma_start3A_101 = tpu.memref_squeeze %dma_start3A_100 : memref<1x1x125xi32, #tpu.memory_space<hbm>> -> memref<125xi32, #tpu.memory_space<hbm>>
    %dma_start3A_102 = arith.constant 0 : i32
    %dma_start3A_103 = tpu.memref_slice %arg10[%dma_start3A_95, %dma_start3A_102] : memref<4x125xi32, #tpu.memory_space<vmem>> -> memref<1x125xi32, #tpu.memory_space<vmem>>
    %dma_start3A_104 = tpu.memref_squeeze %dma_start3A_103 : memref<1x125xi32, #tpu.memory_space<vmem>> -> memref<125xi32, #tpu.memory_space<vmem>>
    %dma_start3A_105 = arith.constant 0 : i32
    %dma_start3A_106 = tpu.memref_slice %arg3[%dma_start3A_94, %add3A_93, %dma_start3A_105] : memref<2x2560x125xi32, #tpu.memory_space<hbm>> -> memref<1x1x125xi32, #tpu.memory_space<hbm>>
    %dma_start3A_107 = tpu.memref_squeeze %dma_start3A_106 : memref<1x1x125xi32, #tpu.memory_space<hbm>> -> memref<125xi32, #tpu.memory_space<hbm>>
    tpu.enqueue_dma source(%dma_start3A_107 : memref<125xi32, #tpu.memory_space<hbm>>) target(%dma_start3A_104 : memref<125xi32, #tpu.memory_space<vmem>>) target_semaphore(%arg23 : memref<!tpu.dma_semaphore, #tpu.memory_space<semaphore_mem>>)
    %dma_start3A_108 = arith.constant 1 : i32
    %dma_start3A_109 = arith.constant 3 : i32
    %dma_start3A_110 = arith.constant 0 : i32
    %dma_start3A_111 = tpu.memref_slice %arg11[%dma_start3A_109, %dma_start3A_110] : memref<4x125xi32, #tpu.memory_space<vmem>> -> memref<1x125xi32, #tpu.memory_space<vmem>>
    %dma_start3A_112 = tpu.memref_squeeze %dma_start3A_111 : memref<1x125xi32, #tpu.memory_space<vmem>> -> memref<125xi32, #tpu.memory_space<vmem>>
    %dma_start3A_113 = arith.constant 0 : i32
    %dma_start3A_114 = tpu.memref_slice %arg3[%dma_start3A_108, %add3A_93, %dma_start3A_113] : memref<2x2560x125xi32, #tpu.memory_space<hbm>> -> memref<1x1x125xi32, #tpu.memory_space<hbm>>
    %dma_start3A_115 = tpu.memref_squeeze %dma_start3A_114 : memref<1x1x125xi32, #tpu.memory_space<hbm>> -> memref<125xi32, #tpu.memory_space<hbm>>
    %dma_start3A_116 = arith.constant 0 : i32
    %dma_start3A_117 = tpu.memref_slice %arg11[%dma_start3A_109, %dma_start3A_116] : memref<4x125xi32, #tpu.memory_space<vmem>> -> memref<1x125xi32, #tpu.memory_space<vmem>>
    %dma_start3A_118 = tpu.memref_squeeze %dma_start3A_117 : memref<1x125xi32, #tpu.memory_space<vmem>> -> memref<125xi32, #tpu.memory_space<vmem>>
    %dma_start3A_119 = arith.constant 0 : i32
    %dma_start3A_120 = tpu.memref_slice %arg3[%dma_start3A_108, %add3A_93, %dma_start3A_119] : memref<2x2560x125xi32, #tpu.memory_space<hbm>> -> memref<1x1x125xi32, #tpu.memory_space<hbm>>
    %dma_start3A_121 = tpu.memref_squeeze %dma_start3A_120 : memref<1x1x125xi32, #tpu.memory_space<hbm>> -> memref<125xi32, #tpu.memory_space<hbm>>
    tpu.enqueue_dma source(%dma_start3A_121 : memref<125xi32, #tpu.memory_space<hbm>>) target(%dma_start3A_118 : memref<125xi32, #tpu.memory_space<vmem>>) target_semaphore(%arg23 : memref<!tpu.dma_semaphore, #tpu.memory_space<semaphore_mem>>)
    %dma_wait3A = arith.constant 0 : i32
    %dma_wait3A_122 = arith.constant 0 : i32
    %dma_wait3A_123 = arith.constant 0 : i32
    %dma_wait3A_124 = arith.constant 0 : i32
    %dma_wait3A_125 = tpu.memref_slice %arg10[%dma_wait3A_123, %dma_wait3A_124] : memref<4x125xi32, #tpu.memory_space<vmem>> -> memref<1x125xi32, #tpu.memory_space<vmem>>
    %dma_wait3A_126 = tpu.memref_squeeze %dma_wait3A_125 : memref<1x125xi32, #tpu.memory_space<vmem>> -> memref<125xi32, #tpu.memory_space<vmem>>
    %dma_wait3A_127 = arith.constant 0 : i32
    %dma_wait3A_128 = tpu.memref_slice %arg3[%dma_wait3A, %dma_wait3A_122, %dma_wait3A_127] : memref<2x2560x125xi32, #tpu.memory_space<hbm>> -> memref<1x1x125xi32, #tpu.memory_space<hbm>>
    %dma_wait3A_129 = tpu.memref_squeeze %dma_wait3A_128 : memref<1x1x125xi32, #tpu.memory_space<hbm>> -> memref<125xi32, #tpu.memory_space<hbm>>
    %dma_wait3A_130 = arith.constant 0 : i32
    %dma_wait3A_131 = tpu.memref_slice %arg10[%dma_wait3A_123, %dma_wait3A_130] : memref<4x125xi32, #tpu.memory_space<vmem>> -> memref<1x125xi32, #tpu.memory_space<vmem>>
    %dma_wait3A_132 = tpu.memref_squeeze %dma_wait3A_131 : memref<1x125xi32, #tpu.memory_space<vmem>> -> memref<125xi32, #tpu.memory_space<vmem>>
    %dma_wait3A_133 = arith.constant 0 : i32
    %dma_wait3A_134 = tpu.memref_slice %arg3[%dma_wait3A, %dma_wait3A_122, %dma_wait3A_133] : memref<2x2560x125xi32, #tpu.memory_space<hbm>> -> memref<1x1x125xi32, #tpu.memory_space<hbm>>
    %dma_wait3A_135 = tpu.memref_squeeze %dma_wait3A_134 : memref<1x1x125xi32, #tpu.memory_space<hbm>> -> memref<125xi32, #tpu.memory_space<hbm>>
    tpu.wait_dma2 semaphore(%arg20 : memref<!tpu.dma_semaphore, #tpu.memory_space<semaphore_mem>>) src(%dma_wait3A_135 : memref<125xi32, #tpu.memory_space<hbm>>) dst(%dma_wait3A_132 : memref<125xi32, #tpu.memory_space<vmem>>)
    %dma_wait3A_136 = arith.constant 1 : i32
    %dma_wait3A_137 = arith.constant 0 : i32
    %dma_wait3A_138 = arith.constant 0 : i32
    %dma_wait3A_139 = arith.constant 0 : i32
    %dma_wait3A_140 = tpu.memref_slice %arg11[%dma_wait3A_138, %dma_wait3A_139] : memref<4x125xi32, #tpu.memory_space<vmem>> -> memref<1x125xi32, #tpu.memory_space<vmem>>
    %dma_wait3A_141 = tpu.memref_squeeze %dma_wait3A_140 : memref<1x125xi32, #tpu.memory_space<vmem>> -> memref<125xi32, #tpu.memory_space<vmem>>
    %dma_wait3A_142 = arith.constant 0 : i32
    %dma_wait3A_143 = tpu.memref_slice %arg3[%dma_wait3A_136, %dma_wait3A_137, %dma_wait3A_142] : memref<2x2560x125xi32, #tpu.memory_space<hbm>> -> memref<1x1x125xi32, #tpu.memory_space<hbm>>
    %dma_wait3A_144 = tpu.memref_squeeze %dma_wait3A_143 : memref<1x1x125xi32, #tpu.memory_space<hbm>> -> memref<125xi32, #tpu.memory_space<hbm>>
    %dma_wait3A_145 = arith.constant 0 : i32
    %dma_wait3A_146 = tpu.memref_slice %arg11[%dma_wait3A_138, %dma_wait3A_145] : memref<4x125xi32, #tpu.memory_space<vmem>> -> memref<1x125xi32, #tpu.memory_space<vmem>>
    %dma_wait3A_147 = tpu.memref_squeeze %dma_wait3A_146 : memref<1x125xi32, #tpu.memory_space<vmem>> -> memref<125xi32, #tpu.memory_space<vmem>>
    %dma_wait3A_148 = arith.constant 0 : i32
    %dma_wait3A_149 = tpu.memref_slice %arg3[%dma_wait3A_136, %dma_wait3A_137, %dma_wait3A_148] : memref<2x2560x125xi32, #tpu.memory_space<hbm>> -> memref<1x1x125xi32, #tpu.memory_space<hbm>>
    %dma_wait3A_150 = tpu.memref_squeeze %dma_wait3A_149 : memref<1x1x125xi32, #tpu.memory_space<hbm>> -> memref<125xi32, #tpu.memory_space<hbm>>
    tpu.wait_dma2 semaphore(%arg20 : memref<!tpu.dma_semaphore, #tpu.memory_space<semaphore_mem>>) src(%dma_wait3A_150 : memref<125xi32, #tpu.memory_space<hbm>>) dst(%dma_wait3A_147 : memref<125xi32, #tpu.memory_space<vmem>>)
    %dma_start3A_151 = arith.constant 0 : i32
    %dma_start3A_152 = arith.constant 0 : i32
    %dma_start3A_153 = tpu.memref_slice %arg10[%dma_start3A_151, %dma_start3A_152] : memref<4x125xi32, #tpu.memory_space<vmem>> -> memref<1x125xi32, #tpu.memory_space<vmem>>
    %dma_start3A_154 = tpu.memref_squeeze %dma_start3A_153 : memref<1x125xi32, #tpu.memory_space<vmem>> -> memref<125xi32, #tpu.memory_space<vmem>>
    %dma_start3A_155 = arith.constant 0 : i32
    %dma_start3A_156 = arith.constant 0 : i32
    %dma_start3A_157 = tpu.memref_slice %arg2[%dma_start3A_155, %dma_start3A_156] : memref<10000x128xbf16, #tpu.memory_space<hbm>> -> memref<10000x128xbf16, #tpu.memory_space<hbm>>
    tpu.enqueue_indirect_dma source(%dma_start3A_157 : memref<10000x128xbf16, #tpu.memory_space<hbm>>) target(%arg12 : memref<125x128xbf16, #tpu.memory_space<vmem>>) offsets(%dma_start3A_154 : memref<125xi32, #tpu.memory_space<vmem>>) semaphore(%arg17 : memref<!tpu.dma_semaphore, #tpu.memory_space<semaphore_mem>>)
    %scan3A = arith.constant 0 : i32
    %scan3A_158 = arith.constant 0 : i32
    %scan3A_159 = arith.constant 125 : i32
    %scan3A_160 = arith.addi %scan3A_158, %scan3A_159 : i32
    %scan3A_161 = arith.constant 1 : i32
    scf.for %scan3A_310 = %scan3A_158 to %scan3A_160 step %scan3A_161  : i32 {
      %broadcast_in_dim3A = arith.constant 0.000000e+00 : bf16
      %broadcast_in_dim3A_311 = vector.broadcast %broadcast_in_dim3A : bf16 to vector<32xbf16>
      %swap3A = arith.index_cast %scan3A_310 : i32 to index
      %swap3A_312 = arith.constant 0 : index
      %swap3A_313 = tpu.vector_load %arg13[%swap3A, %swap3A_312] {strides = array<i32>} : memref<125x128xbf16, #tpu.memory_space<vmem>>, vector<1x32xbf16>,
      %swap3A_314 = vector.shape_cast %swap3A_313 : vector<1x32xbf16> to vector<32xbf16>
      %swap3A_315 = vector.shape_cast %broadcast_in_dim3A_311 : vector<32xbf16> to vector<1x32xbf16>
      tpu.vector_store %arg13[%swap3A, %swap3A_312], %swap3A_315 {strides = array<i32>} : memref<125x128xbf16, #tpu.memory_space<vmem>>, vector<1x32xbf16>,
      %broadcast_in_dim3A_316 = arith.constant 0.000000e+00 : bf16
      %broadcast_in_dim3A_317 = vector.broadcast %broadcast_in_dim3A_316 : bf16 to vector<32xbf16>
      %swap3A_318 = arith.index_cast %scan3A_310 : i32 to index
      %swap3A_319 = arith.constant 32 : index
      %swap3A_320 = tpu.vector_load %arg13[%swap3A_318, %swap3A_319] {strides = array<i32>} : memref<125x128xbf16, #tpu.memory_space<vmem>>, vector<1x32xbf16>,
      %swap3A_321 = vector.shape_cast %swap3A_320 : vector<1x32xbf16> to vector<32xbf16>
      %swap3A_322 = vector.shape_cast %broadcast_in_dim3A_317 : vector<32xbf16> to vector<1x32xbf16>
      tpu.vector_store %arg13[%swap3A_318, %swap3A_319], %swap3A_322 {strides = array<i32>} : memref<125x128xbf16, #tpu.memory_space<vmem>>, vector<1x32xbf16>,
      %broadcast_in_dim3A_323 = arith.constant 0.000000e+00 : bf16
      %broadcast_in_dim3A_324 = vector.broadcast %broadcast_in_dim3A_323 : bf16 to vector<32xbf16>
      %swap3A_325 = arith.index_cast %scan3A_310 : i32 to index
      %swap3A_326 = arith.constant 64 : index
      %swap3A_327 = tpu.vector_load %arg13[%swap3A_325, %swap3A_326] {strides = array<i32>} : memref<125x128xbf16, #tpu.memory_space<vmem>>, vector<1x32xbf16>,
      %swap3A_328 = vector.shape_cast %swap3A_327 : vector<1x32xbf16> to vector<32xbf16>
      %swap3A_329 = vector.shape_cast %broadcast_in_dim3A_324 : vector<32xbf16> to vector<1x32xbf16>
      tpu.vector_store %arg13[%swap3A_325, %swap3A_326], %swap3A_329 {strides = array<i32>} : memref<125x128xbf16, #tpu.memory_space<vmem>>, vector<1x32xbf16>,
      %broadcast_in_dim3A_330 = arith.constant 0.000000e+00 : bf16
      %broadcast_in_dim3A_331 = vector.broadcast %broadcast_in_dim3A_330 : bf16 to vector<32xbf16>
      %swap3A_332 = arith.index_cast %scan3A_310 : i32 to index
      %swap3A_333 = arith.constant 96 : index
      %swap3A_334 = tpu.vector_load %arg13[%swap3A_332, %swap3A_333] {strides = array<i32>} : memref<125x128xbf16, #tpu.memory_space<vmem>>, vector<1x32xbf16>,
      %swap3A_335 = vector.shape_cast %swap3A_334 : vector<1x32xbf16> to vector<32xbf16>
      %swap3A_336 = vector.shape_cast %broadcast_in_dim3A_331 : vector<32xbf16> to vector<1x32xbf16>
      tpu.vector_store %arg13[%swap3A_332, %swap3A_333], %swap3A_336 {strides = array<i32>} : memref<125x128xbf16, #tpu.memory_space<vmem>>, vector<1x32xbf16>,
    }
    %scan3A_162 = arith.constant 125 : i32
    %mul3A_163 = arith.constant 625 : i32
    %mul3A_164 = arith.muli %arg1, %mul3A_163 : i32
    %add3A_165 = arith.constant 0 : i32
    %add3A_166 = arith.addi %mul3A_164, %add3A_165 : i32
    %dma_start3A_167 = arith.constant 0 : i32
    %dma_start3A_168 = tpu.memref_slice %arg15[%add3A_166, %dma_start3A_167] : memref<10000x128xbf16, #tpu.memory_space<vmem_shared>> -> memref<125x128xbf16, #tpu.memory_space<vmem_shared>>
    %dma_start3A_169 = arith.constant 0 : i32
    %dma_start3A_170 = tpu.memref_slice %arg15[%add3A_166, %dma_start3A_169] : memref<10000x128xbf16, #tpu.memory_space<vmem_shared>> -> memref<125x128xbf16, #tpu.memory_space<vmem_shared>>
    tpu.enqueue_dma source(%arg13 : memref<125x128xbf16, #tpu.memory_space<vmem>>) target(%dma_start3A_170 : memref<125x128xbf16, #tpu.memory_space<vmem_shared>>) target_semaphore(%arg19 : memref<!tpu.dma_semaphore, #tpu.memory_space<semaphore_mem>>)
    %mul3A_171 = arith.constant 625 : i32
    %mul3A_172 = arith.muli %arg1, %mul3A_171 : i32
    %add3A_173 = arith.constant 125 : i32
    %add3A_174 = arith.addi %mul3A_172, %add3A_173 : i32
    %dma_start3A_175 = arith.constant 0 : i32
    %dma_start3A_176 = tpu.memref_slice %arg15[%add3A_174, %dma_start3A_175] : memref<10000x128xbf16, #tpu.memory_space<vmem_shared>> -> memref<125x128xbf16, #tpu.memory_space<vmem_shared>>
    %dma_start3A_177 = arith.constant 0 : i32
    %dma_start3A_178 = tpu.memref_slice %arg15[%add3A_174, %dma_start3A_177] : memref<10000x128xbf16, #tpu.memory_space<vmem_shared>> -> memref<125x128xbf16, #tpu.memory_space<vmem_shared>>
    tpu.enqueue_dma source(%arg13 : memref<125x128xbf16, #tpu.memory_space<vmem>>) target(%dma_start3A_178 : memref<125x128xbf16, #tpu.memory_space<vmem_shared>>) target_semaphore(%arg19 : memref<!tpu.dma_semaphore, #tpu.memory_space<semaphore_mem>>)
    %mul3A_179 = arith.constant 625 : i32
    %mul3A_180 = arith.muli %arg1, %mul3A_179 : i32
    %add3A_181 = arith.constant 250 : i32
    %add3A_182 = arith.addi %mul3A_180, %add3A_181 : i32
    %dma_start3A_183 = arith.constant 0 : i32
    %dma_start3A_184 = tpu.memref_slice %arg15[%add3A_182, %dma_start3A_183] : memref<10000x128xbf16, #tpu.memory_space<vmem_shared>> -> memref<125x128xbf16, #tpu.memory_space<vmem_shared>>
    %dma_start3A_185 = arith.constant 0 : i32
    %dma_start3A_186 = tpu.memref_slice %arg15[%add3A_182, %dma_start3A_185] : memref<10000x128xbf16, #tpu.memory_space<vmem_shared>> -> memref<125x128xbf16, #tpu.memory_space<vmem_shared>>
    tpu.enqueue_dma source(%arg13 : memref<125x128xbf16, #tpu.memory_space<vmem>>) target(%dma_start3A_186 : memref<125x128xbf16, #tpu.memory_space<vmem_shared>>) target_semaphore(%arg19 : memref<!tpu.dma_semaphore, #tpu.memory_space<semaphore_mem>>)
    %mul3A_187 = arith.constant 625 : i32
    %mul3A_188 = arith.muli %arg1, %mul3A_187 : i32
    %add3A_189 = arith.constant 375 : i32
    %add3A_190 = arith.addi %mul3A_188, %add3A_189 : i32
    %dma_start3A_191 = arith.constant 0 : i32
    %dma_start3A_192 = tpu.memref_slice %arg15[%add3A_190, %dma_start3A_191] : memref<10000x128xbf16, #tpu.memory_space<vmem_shared>> -> memref<125x128xbf16, #tpu.memory_space<vmem_shared>>
    %dma_start3A_193 = arith.constant 0 : i32
    %dma_start3A_194 = tpu.memref_slice %arg15[%add3A_190, %dma_start3A_193] : memref<10000x128xbf16, #tpu.memory_space<vmem_shared>> -> memref<125x128xbf16, #tpu.memory_space<vmem_shared>>
    tpu.enqueue_dma source(%arg13 : memref<125x128xbf16, #tpu.memory_space<vmem>>) target(%dma_start3A_194 : memref<125x128xbf16, #tpu.memory_space<vmem_shared>>) target_semaphore(%arg19 : memref<!tpu.dma_semaphore, #tpu.memory_space<semaphore_mem>>)
    %mul3A_195 = arith.constant 625 : i32
    %mul3A_196 = arith.muli %arg1, %mul3A_195 : i32
    %add3A_197 = arith.constant 500 : i32
    %add3A_198 = arith.addi %mul3A_196, %add3A_197 : i32
    %dma_start3A_199 = arith.constant 0 : i32
    %dma_start3A_200 = tpu.memref_slice %arg15[%add3A_198, %dma_start3A_199] : memref<10000x128xbf16, #tpu.memory_space<vmem_shared>> -> memref<125x128xbf16, #tpu.memory_space<vmem_shared>>
    %dma_start3A_201 = arith.constant 0 : i32
    %dma_start3A_202 = tpu.memref_slice %arg15[%add3A_198, %dma_start3A_201] : memref<10000x128xbf16, #tpu.memory_space<vmem_shared>> -> memref<125x128xbf16, #tpu.memory_space<vmem_shared>>
    tpu.enqueue_dma source(%arg13 : memref<125x128xbf16, #tpu.memory_space<vmem>>) target(%dma_start3A_202 : memref<125x128xbf16, #tpu.memory_space<vmem_shared>>) target_semaphore(%arg19 : memref<!tpu.dma_semaphore, #tpu.memory_space<semaphore_mem>>)
    %mul3A_203 = arith.constant 640 : i32
    %mul3A_204 = arith.muli %arg1, %mul3A_203 : i32
    %mul3A_205 = arith.constant 640 : i32
    %mul3A_206 = arith.muli %arg1, %mul3A_205 : i32
    %dma_start3A_207 = arith.constant 0 : i32
    %dma_start3A_208 = tpu.memref_slice %arg16[%mul3A_206, %dma_start3A_207] : memref<10240x16xf32, #tpu.memory_space<vmem_shared>> -> memref<640x16xf32, #tpu.memory_space<vmem_shared>>
    %dma_start3A_209 = arith.constant 0 : i32
    %dma_start3A_210 = tpu.memref_slice %arg4[%mul3A_204, %dma_start3A_209] : memref<10240x16xf32, #tpu.memory_space<hbm>> -> memref<640x16xf32, #tpu.memory_space<hbm>>
    tpu.enqueue_dma source(%dma_start3A_210 : memref<640x16xf32, #tpu.memory_space<hbm>>) target(%dma_start3A_208 : memref<640x16xf32, #tpu.memory_space<vmem_shared>>) target_semaphore(%arg18 : memref<!tpu.dma_semaphore, #tpu.memory_space<semaphore_mem>>)
    %mul3A_211 = arith.constant 625 : i32
    %mul3A_212 = arith.muli %arg1, %mul3A_211 : i32
    %add3A_213 = arith.constant 0 : i32
    %add3A_214 = arith.addi %mul3A_212, %add3A_213 : i32
    %dma_wait3A_215 = arith.constant 0 : i32
    %dma_wait3A_216 = tpu.memref_slice %arg15[%add3A_214, %dma_wait3A_215] : memref<10000x128xbf16, #tpu.memory_space<vmem_shared>> -> memref<125x128xbf16, #tpu.memory_space<vmem_shared>>
    %dma_wait3A_217 = arith.constant 0 : i32
    %dma_wait3A_218 = tpu.memref_slice %arg15[%add3A_214, %dma_wait3A_217] : memref<10000x128xbf16, #tpu.memory_space<vmem_shared>> -> memref<125x128xbf16, #tpu.memory_space<vmem_shared>>
    tpu.wait_dma2 semaphore(%arg19 : memref<!tpu.dma_semaphore, #tpu.memory_space<semaphore_mem>>) src(%arg13 : memref<125x128xbf16, #tpu.memory_space<vmem>>) dst(%dma_wait3A_218 : memref<125x128xbf16, #tpu.memory_space<vmem_shared>>)
    %mul3A_219 = arith.constant 625 : i32
    %mul3A_220 = arith.muli %arg1, %mul3A_219 : i32
    %add3A_221 = arith.constant 125 : i32
    %add3A_222 = arith.addi %mul3A_220, %add3A_221 : i32
    %dma_wait3A_223 = arith.constant 0 : i32
    %dma_wait3A_224 = tpu.memref_slice %arg15[%add3A_222, %dma_wait3A_223] : memref<10000x128xbf16, #tpu.memory_space<vmem_shared>> -> memref<125x128xbf16, #tpu.memory_space<vmem_shared>>
    %dma_wait3A_225 = arith.constant 0 : i32
    %dma_wait3A_226 = tpu.memref_slice %arg15[%add3A_222, %dma_wait3A_225] : memref<10000x128xbf16, #tpu.memory_space<vmem_shared>> -> memref<125x128xbf16, #tpu.memory_space<vmem_shared>>
    tpu.wait_dma2 semaphore(%arg19 : memref<!tpu.dma_semaphore, #tpu.memory_space<semaphore_mem>>) src(%arg13 : memref<125x128xbf16, #tpu.memory_space<vmem>>) dst(%dma_wait3A_226 : memref<125x128xbf16, #tpu.memory_space<vmem_shared>>)
    %mul3A_227 = arith.constant 625 : i32
    %mul3A_228 = arith.muli %arg1, %mul3A_227 : i32
    %add3A_229 = arith.constant 250 : i32
    %add3A_230 = arith.addi %mul3A_228, %add3A_229 : i32
    %dma_wait3A_231 = arith.constant 0 : i32
    %dma_wait3A_232 = tpu.memref_slice %arg15[%add3A_230, %dma_wait3A_231] : memref<10000x128xbf16, #tpu.memory_space<vmem_shared>> -> memref<125x128xbf16, #tpu.memory_space<vmem_shared>>
    %dma_wait3A_233 = arith.constant 0 : i32
    %dma_wait3A_234 = tpu.memref_slice %arg15[%add3A_230, %dma_wait3A_233] : memref<10000x128xbf16, #tpu.memory_space<vmem_shared>> -> memref<125x128xbf16, #tpu.memory_space<vmem_shared>>
    tpu.wait_dma2 semaphore(%arg19 : memref<!tpu.dma_semaphore, #tpu.memory_space<semaphore_mem>>) src(%arg13 : memref<125x128xbf16, #tpu.memory_space<vmem>>) dst(%dma_wait3A_234 : memref<125x128xbf16, #tpu.memory_space<vmem_shared>>)
    %mul3A_235 = arith.constant 625 : i32
    %mul3A_236 = arith.muli %arg1, %mul3A_235 : i32
    %add3A_237 = arith.constant 375 : i32
    %add3A_238 = arith.addi %mul3A_236, %add3A_237 : i32
    %dma_wait3A_239 = arith.constant 0 : i32
    %dma_wait3A_240 = tpu.memref_slice %arg15[%add3A_238, %dma_wait3A_239] : memref<10000x128xbf16, #tpu.memory_space<vmem_shared>> -> memref<125x128xbf16, #tpu.memory_space<vmem_shared>>
    %dma_wait3A_241 = arith.constant 0 : i32
    %dma_wait3A_242 = tpu.memref_slice %arg15[%add3A_238, %dma_wait3A_241] : memref<10000x128xbf16, #tpu.memory_space<vmem_shared>> -> memref<125x128xbf16, #tpu.memory_space<vmem_shared>>
    tpu.wait_dma2 semaphore(%arg19 : memref<!tpu.dma_semaphore, #tpu.memory_space<semaphore_mem>>) src(%arg13 : memref<125x128xbf16, #tpu.memory_space<vmem>>) dst(%dma_wait3A_242 : memref<125x128xbf16, #tpu.memory_space<vmem_shared>>)
    %mul3A_243 = arith.constant 625 : i32
    %mul3A_244 = arith.muli %arg1, %mul3A_243 : i32
    %add3A_245 = arith.constant 500 : i32
    %add3A_246 = arith.addi %mul3A_244, %add3A_245 : i32
    %dma_wait3A_247 = arith.constant 0 : i32
    %dma_wait3A_248 = tpu.memref_slice %arg15[%add3A_246, %dma_wait3A_247] : memref<10000x128xbf16, #tpu.memory_space<vmem_shared>> -> memref<125x128xbf16, #tpu.memory_space<vmem_shared>>
    %dma_wait3A_249 = arith.constant 0 : i32
    %dma_wait3A_250 = tpu.memref_slice %arg15[%add3A_246, %dma_wait3A_249] : memref<10000x128xbf16, #tpu.memory_space<vmem_shared>> -> memref<125x128xbf16, #tpu.memory_space<vmem_shared>>
    tpu.wait_dma2 semaphore(%arg19 : memref<!tpu.dma_semaphore, #tpu.memory_space<semaphore_mem>>) src(%arg13 : memref<125x128xbf16, #tpu.memory_space<vmem>>) dst(%dma_wait3A_250 : memref<125x128xbf16, #tpu.memory_space<vmem_shared>>)
    %mul3A_251 = arith.constant 640 : i32
    %mul3A_252 = arith.muli %arg1, %mul3A_251 : i32
    %mul3A_253 = arith.constant 640 : i32
    %mul3A_254 = arith.muli %arg1, %mul3A_253 : i32
    %dma_wait3A_255 = arith.constant 0 : i32
    %dma_wait3A_256 = tpu.memref_slice %arg16[%mul3A_254, %dma_wait3A_255] : memref<10240x16xf32, #tpu.memory_space<vmem_shared>> -> memref<640x16xf32, #tpu.memory_space<vmem_shared>>
    %dma_wait3A_257 = arith.constant 0 : i32
    %dma_wait3A_258 = tpu.memref_slice %arg4[%mul3A_252, %dma_wait3A_257] : memref<10240x16xf32, #tpu.memory_space<hbm>> -> memref<640x16xf32, #tpu.memory_space<hbm>>
    tpu.wait_dma2 semaphore(%arg18 : memref<!tpu.dma_semaphore, #tpu.memory_space<semaphore_mem>>) src(%dma_wait3A_258 : memref<640x16xf32, #tpu.memory_space<hbm>>) dst(%dma_wait3A_256 : memref<640x16xf32, #tpu.memory_space<vmem_shared>>)
    %dma_wait3A_259 = arith.constant 0 : i32
    %dma_wait3A_260 = arith.constant 0 : i32
    %dma_wait3A_261 = arith.constant 1 : i32
    %dma_wait3A_262 = arith.constant 0 : i32
    %dma_wait3A_263 = tpu.memref_slice %arg10[%dma_wait3A_261, %dma_wait3A_262] : memref<4x125xi32, #tpu.memory_space<vmem>> -> memref<1x125xi32, #tpu.memory_space<vmem>>
    %dma_wait3A_264 = tpu.memref_squeeze %dma_wait3A_263 : memref<1x125xi32, #tpu.memory_space<vmem>> -> memref<125xi32, #tpu.memory_space<vmem>>
    %dma_wait3A_265 = arith.constant 0 : i32
    %dma_wait3A_266 = tpu.memref_slice %arg3[%dma_wait3A_259, %dma_wait3A_260, %dma_wait3A_265] : memref<2x2560x125xi32, #tpu.memory_space<hbm>> -> memref<1x1x125xi32, #tpu.memory_space<hbm>>
    %dma_wait3A_267 = tpu.memref_squeeze %dma_wait3A_266 : memref<1x1x125xi32, #tpu.memory_space<hbm>> -> memref<125xi32, #tpu.memory_space<hbm>>
    %dma_wait3A_268 = arith.constant 0 : i32
    %dma_wait3A_269 = tpu.memref_slice %arg10[%dma_wait3A_261, %dma_wait3A_268] : memref<4x125xi32, #tpu.memory_space<vmem>> -> memref<1x125xi32, #tpu.memory_space<vmem>>
    %dma_wait3A_270 = tpu.memref_squeeze %dma_wait3A_269 : memref<1x125xi32, #tpu.memory_space<vmem>> -> memref<125xi32, #tpu.memory_space<vmem>>
    %dma_wait3A_271 = arith.constant 0 : i32
    %dma_wait3A_272 = tpu.memref_slice %arg3[%dma_wait3A_259, %dma_wait3A_260, %dma_wait3A_271] : memref<2x2560x125xi32, #tpu.memory_space<hbm>> -> memref<1x1x125xi32, #tpu.memory_space<hbm>>
    %dma_wait3A_273 = tpu.memref_squeeze %dma_wait3A_272 : memref<1x1x125xi32, #tpu.memory_space<hbm>> -> memref<125xi32, #tpu.memory_space<hbm>>
    tpu.wait_dma2 semaphore(%arg21 : memref<!tpu.dma_semaphore, #tpu.memory_space<semaphore_mem>>) src(%dma_wait3A_273 : memref<125xi32, #tpu.memory_space<hbm>>) dst(%dma_wait3A_270 : memref<125xi32, #tpu.memory_space<vmem>>)
    %dma_wait3A_274 = arith.constant 1 : i32
    %dma_wait3A_275 = arith.constant 0 : i32
    %dma_wait3A_276 = arith.constant 1 : i32
    %dma_wait3A_277 = arith.constant 0 : i32
    %dma_wait3A_278 = tpu.memref_slice %arg11[%dma_wait3A_276, %dma_wait3A_277] : memref<4x125xi32, #tpu.memory_space<vmem>> -> memref<1x125xi32, #tpu.memory_space<vmem>>
    %dma_wait3A_279 = tpu.memref_squeeze %dma_wait3A_278 : memref<1x125xi32, #tpu.memory_space<vmem>> -> memref<125xi32, #tpu.memory_space<vmem>>
    %dma_wait3A_280 = arith.constant 0 : i32
    %dma_wait3A_281 = tpu.memref_slice %arg3[%dma_wait3A_274, %dma_wait3A_275, %dma_wait3A_280] : memref<2x2560x125xi32, #tpu.memory_space<hbm>> -> memref<1x1x125xi32, #tpu.memory_space<hbm>>
    %dma_wait3A_282 = tpu.memref_squeeze %dma_wait3A_281 : memref<1x1x125xi32, #tpu.memory_space<hbm>> -> memref<125xi32, #tpu.memory_space<hbm>>
    %dma_wait3A_283 = arith.constant 0 : i32
    %dma_wait3A_284 = tpu.memref_slice %arg11[%dma_wait3A_276, %dma_wait3A_283] : memref<4x125xi32, #tpu.memory_space<vmem>> -> memref<1x125xi32, #tpu.memory_space<vmem>>
    %dma_wait3A_285 = tpu.memref_squeeze %dma_wait3A_284 : memref<1x125xi32, #tpu.memory_space<vmem>> -> memref<125xi32, #tpu.memory_space<vmem>>
    %dma_wait3A_286 = arith.constant 0 : i32
    %dma_wait3A_287 = tpu.memref_slice %arg3[%dma_wait3A_274, %dma_wait3A_275, %dma_wait3A_286] : memref<2x2560x125xi32, #tpu.memory_space<hbm>> -> memref<1x1x125xi32, #tpu.memory_space<hbm>>
    %dma_wait3A_288 = tpu.memref_squeeze %dma_wait3A_287 : memref<1x1x125xi32, #tpu.memory_space<hbm>> -> memref<125xi32, #tpu.memory_space<hbm>>
    tpu.wait_dma2 semaphore(%arg21 : memref<!tpu.dma_semaphore, #tpu.memory_space<semaphore_mem>>) src(%dma_wait3A_288 : memref<125xi32, #tpu.memory_space<hbm>>) dst(%dma_wait3A_285 : memref<125xi32, #tpu.memory_space<vmem>>)
    %dma_start3A_289 = arith.constant 1 : i32
    %dma_start3A_290 = arith.constant 0 : i32
    %dma_start3A_291 = tpu.memref_slice %arg10[%dma_start3A_289, %dma_start3A_290] : memref<4x125xi32, #tpu.memory_space<vmem>> -> memref<1x125xi32, #tpu.memory_space<vmem>>
    %dma_start3A_292 = tpu.memref_squeeze %dma_start3A_291 : memref<1x125xi32, #tpu.memory_space<vmem>> -> memref<125xi32, #tpu.memory_space<vmem>>
    %dma_start3A_293 = arith.constant 0 : i32
    %dma_start3A_294 = arith.constant 0 : i32
    %dma_start3A_295 = tpu.memref_slice %arg2[%dma_start3A_293, %dma_start3A_294] : memref<10000x128xbf16, #tpu.memory_space<hbm>> -> memref<10000x128xbf16, #tpu.memory_space<hbm>>
    tpu.enqueue_indirect_dma source(%dma_start3A_295 : memref<10000x128xbf16, #tpu.memory_space<hbm>>) target(%arg13 : memref<125x128xbf16, #tpu.memory_space<vmem>>) offsets(%dma_start3A_292 : memref<125xi32, #tpu.memory_space<vmem>>) semaphore(%arg18 : memref<!tpu.dma_semaphore, #tpu.memory_space<semaphore_mem>>)
    %barrier3A = arith.constant 0 : index
    tpu.barrier barrier_id(%barrier3A)
    %scan3A_296 = arith.constant 0 : i32
    %scan3A_297 = arith.constant 0 : i32
    %scan3A_298 = arith.constant 20 : i32
    %scan3A_299 = arith.addi %scan3A_297, %scan3A_298 : i32
    %scan3A_300 = arith.constant 1 : i32
    scf.for %scan3A_310 = %scan3A_297 to %scan3A_299 step %scan3A_300  : i32 {
      %mul3A_311 = arith.constant 4 : i32
      %mul3A_312 = arith.muli %mul3A_311, %scan3A_310 : i32
      %add3A_313 = arith.constant 0 : i32
      %add3A_314 = arith.addi %mul3A_312, %add3A_313 : i32
      %dma_wait3A_315 = arith.constant 0 : i32
      %dma_wait3A_316 = arith.constant 0 : i32
      %dma_wait3A_317 = tpu.memref_slice %arg10[%dma_wait3A_315, %dma_wait3A_316] : memref<4x125xi32, #tpu.memory_space<vmem>> -> memref<1x125xi32, #tpu.memory_space<vmem>>
      %dma_wait3A_318 = tpu.memref_squeeze %dma_wait3A_317 : memref<1x125xi32, #tpu.memory_space<vmem>> -> memref<125xi32, #tpu.memory_space<vmem>>
      %dma_wait3A_319 = arith.constant 0 : i32
      %dma_wait3A_320 = arith.constant 0 : i32
      %dma_wait3A_321 = tpu.memref_slice %arg2[%dma_wait3A_319, %dma_wait3A_320] : memref<10000x128xbf16, #tpu.memory_space<hbm>> -> memref<10000x128xbf16, #tpu.memory_space<hbm>>
      tpu.wait_indirect_dma semaphore(%arg17 : memref<!tpu.dma_semaphore, #tpu.memory_space<semaphore_mem>>) src(%dma_wait3A_321 : memref<10000x128xbf16, #tpu.memory_space<hbm>>) dst(%arg12 : memref<125x128xbf16, #tpu.memory_space<vmem>>)
      %dma_start3A_322 = arith.constant 0 : i32
      %dma_start3A_323 = arith.constant 0 : i32
      %dma_start3A_324 = tpu.memref_slice %arg11[%dma_start3A_322, %dma_start3A_323] : memref<4x125xi32, #tpu.memory_space<vmem>> -> memref<1x125xi32, #tpu.memory_space<vmem>>
      %dma_start3A_325 = tpu.memref_squeeze %dma_start3A_324 : memref<1x125xi32, #tpu.memory_space<vmem>> -> memref<125xi32, #tpu.memory_space<vmem>>
      %dma_start3A_326 = arith.constant 0 : i32
      %dma_start3A_327 = arith.constant 0 : i32
      %dma_start3A_328 = tpu.memref_slice %arg16[%dma_start3A_326, %dma_start3A_327] : memref<10240x16xf32, #tpu.memory_space<vmem_shared>> -> memref<10240x16xf32, #tpu.memory_space<vmem_shared>>
      tpu.enqueue_indirect_dma source(%arg14 : memref<125x16xf32, #tpu.memory_space<vmem>>) target(%dma_start3A_328 : memref<10240x16xf32, #tpu.memory_space<vmem_shared>>) offsets(%dma_start3A_325 : memref<125xi32, #tpu.memory_space<vmem>>) semaphore(%arg19 : memref<!tpu.dma_semaphore, #tpu.memory_space<semaphore_mem>>) {add = true}
      %run_scoped3A = arith.constant 0 : i32
      "tpu.region"() ({
        %run_scoped3A_463 = tpu.sem_alloc : memref<!tpu.dma_semaphore, #tpu.memory_space<semaphore_mem>>
        %dma_start3A_464 = arith.constant 0 : i32
        %dma_start3A_465 = tpu.memref_slice %arg11[%run_scoped3A, %dma_start3A_464] : memref<4x125xi32, #tpu.memory_space<vmem>> -> memref<1x125xi32, #tpu.memory_space<vmem>>
        %dma_start3A_466 = tpu.memref_squeeze %dma_start3A_465 : memref<1x125xi32, #tpu.memory_space<vmem>> -> memref<125xi32, #tpu.memory_space<vmem>>
        %dma_start3A_467 = arith.constant 0 : i32
        %dma_start3A_468 = arith.constant 0 : i32
        %dma_start3A_469 = tpu.memref_slice %arg15[%dma_start3A_467, %dma_start3A_468] : memref<10000x128xbf16, #tpu.memory_space<vmem_shared>> -> memref<10000x128xbf16, #tpu.memory_space<vmem_shared>>
        tpu.enqueue_indirect_dma source(%arg12 : memref<125x128xbf16, #tpu.memory_space<vmem>>) target(%dma_start3A_469 : memref<10000x128xbf16, #tpu.memory_space<vmem_shared>>) offsets(%dma_start3A_466 : memref<125xi32, #tpu.memory_space<vmem>>) semaphore(%run_scoped3A_463 : memref<!tpu.dma_semaphore, #tpu.memory_space<semaphore_mem>>) {add = true}
        %dma_wait3A_470 = arith.constant 0 : i32
        %dma_wait3A_471 = tpu.memref_slice %arg11[%run_scoped3A, %dma_wait3A_470] : memref<4x125xi32, #tpu.memory_space<vmem>> -> memref<1x125xi32, #tpu.memory_space<vmem>>
        %dma_wait3A_472 = tpu.memref_squeeze %dma_wait3A_471 : memref<1x125xi32, #tpu.memory_space<vmem>> -> memref<125xi32, #tpu.memory_space<vmem>>
        %dma_wait3A_473 = arith.constant 0 : i32
        %dma_wait3A_474 = arith.constant 0 : i32
        %dma_wait3A_475 = tpu.memref_slice %arg15[%dma_wait3A_473, %dma_wait3A_474] : memref<10000x128xbf16, #tpu.memory_space<vmem_shared>> -> memref<10000x128xbf16, #tpu.memory_space<vmem_shared>>
        tpu.wait_indirect_dma semaphore(%run_scoped3A_463 : memref<!tpu.dma_semaphore, #tpu.memory_space<semaphore_mem>>) src(%arg12 : memref<125x128xbf16, #tpu.memory_space<vmem>>) dst(%dma_wait3A_475 : memref<10000x128xbf16, #tpu.memory_space<vmem_shared>>)
        tpu.yield
      }) : () -> ()
      %dma_wait3A_329 = arith.constant 0 : i32
      %dma_wait3A_330 = arith.constant 0 : i32
      %dma_wait3A_331 = tpu.memref_slice %arg11[%dma_wait3A_329, %dma_wait3A_330] : memref<4x125xi32, #tpu.memory_space<vmem>> -> memref<1x125xi32, #tpu.memory_space<vmem>>
      %dma_wait3A_332 = tpu.memref_squeeze %dma_wait3A_331 : memref<1x125xi32, #tpu.memory_space<vmem>> -> memref<125xi32, #tpu.memory_space<vmem>>
      %dma_wait3A_333 = arith.constant 0 : i32
      %dma_wait3A_334 = arith.constant 0 : i32
      %dma_wait3A_335 = tpu.memref_slice %arg16[%dma_wait3A_333, %dma_wait3A_334] : memref<10240x16xf32, #tpu.memory_space<vmem_shared>> -> memref<10240x16xf32, #tpu.memory_space<vmem_shared>>
      tpu.wait_indirect_dma semaphore(%arg19 : memref<!tpu.dma_semaphore, #tpu.memory_space<semaphore_mem>>) src(%arg14 : memref<125x16xf32, #tpu.memory_space<vmem>>) dst(%dma_wait3A_335 : memref<10240x16xf32, #tpu.memory_space<vmem_shared>>)
      %add3A_336 = arith.constant 4 : i32
      %add3A_337 = arith.addi %add3A_314, %add3A_336 : i32
      %lt3A = arith.constant 80 : i32
      %lt3A_338 = arith.cmpi slt, %add3A_337, %lt3A : i32
      %convert_element_type3A_339 = arith.extui %lt3A_338 : i1 to i32
      %cond3A_340 = arith.constant 0 : i32
      %cond3A_341 = arith.cmpi ne, %convert_element_type3A_339, %cond3A_340 : i32
      scf.if %cond3A_341 {
        %add3A_463 = arith.addi %mul3A_2, %add3A_314 : i32
        %add3A_464 = arith.constant 4 : i32
        %add3A_465 = arith.addi %add3A_463, %add3A_464 : i32
        %dma_start3A_466 = arith.constant 0 : i32
        %dma_start3A_467 = arith.constant 0 : i32
        %dma_start3A_468 = arith.constant 0 : i32
        %dma_start3A_469 = tpu.memref_slice %arg10[%dma_start3A_467, %dma_start3A_468] : memref<4x125xi32, #tpu.memory_space<vmem>> -> memref<1x125xi32, #tpu.memory_space<vmem>>
        %dma_start3A_470 = tpu.memref_squeeze %dma_start3A_469 : memref<1x125xi32, #tpu.memory_space<vmem>> -> memref<125xi32, #tpu.memory_space<vmem>>
        %dma_start3A_471 = arith.constant 0 : i32
        %dma_start3A_472 = tpu.memref_slice %arg3[%dma_start3A_466, %add3A_465, %dma_start3A_471] : memref<2x2560x125xi32, #tpu.memory_space<hbm>> -> memref<1x1x125xi32, #tpu.memory_space<hbm>>
        %dma_start3A_473 = tpu.memref_squeeze %dma_start3A_472 : memref<1x1x125xi32, #tpu.memory_space<hbm>> -> memref<125xi32, #tpu.memory_space<hbm>>
        %dma_start3A_474 = arith.constant 0 : i32
        %dma_start3A_475 = tpu.memref_slice %arg10[%dma_start3A_467, %dma_start3A_474] : memref<4x125xi32, #tpu.memory_space<vmem>> -> memref<1x125xi32, #tpu.memory_space<vmem>>
        %dma_start3A_476 = tpu.memref_squeeze %dma_start3A_475 : memref<1x125xi32, #tpu.memory_space<vmem>> -> memref<125xi32, #tpu.memory_space<vmem>>
        %dma_start3A_477 = arith.constant 0 : i32
        %dma_start3A_478 = tpu.memref_slice %arg3[%dma_start3A_466, %add3A_465, %dma_start3A_477] : memref<2x2560x125xi32, #tpu.memory_space<hbm>> -> memref<1x1x125xi32, #tpu.memory_space<hbm>>
        %dma_start3A_479 = tpu.memref_squeeze %dma_start3A_478 : memref<1x1x125xi32, #tpu.memory_space<hbm>> -> memref<125xi32, #tpu.memory_space<hbm>>
        tpu.enqueue_dma source(%dma_start3A_479 : memref<125xi32, #tpu.memory_space<hbm>>) target(%dma_start3A_476 : memref<125xi32, #tpu.memory_space<vmem>>) target_semaphore(%arg20 : memref<!tpu.dma_semaphore, #tpu.memory_space<semaphore_mem>>)
        %dma_start3A_480 = arith.constant 1 : i32
        %dma_start3A_481 = arith.constant 0 : i32
        %dma_start3A_482 = arith.constant 0 : i32
        %dma_start3A_483 = tpu.memref_slice %arg11[%dma_start3A_481, %dma_start3A_482] : memref<4x125xi32, #tpu.memory_space<vmem>> -> memref<1x125xi32, #tpu.memory_space<vmem>>
        %dma_start3A_484 = tpu.memref_squeeze %dma_start3A_483 : memref<1x125xi32, #tpu.memory_space<vmem>> -> memref<125xi32, #tpu.memory_space<vmem>>
        %dma_start3A_485 = arith.constant 0 : i32
        %dma_start3A_486 = tpu.memref_slice %arg3[%dma_start3A_480, %add3A_465, %dma_start3A_485] : memref<2x2560x125xi32, #tpu.memory_space<hbm>> -> memref<1x1x125xi32, #tpu.memory_space<hbm>>
        %dma_start3A_487 = tpu.memref_squeeze %dma_start3A_486 : memref<1x1x125xi32, #tpu.memory_space<hbm>> -> memref<125xi32, #tpu.memory_space<hbm>>
        %dma_start3A_488 = arith.constant 0 : i32
        %dma_start3A_489 = tpu.memref_slice %arg11[%dma_start3A_481, %dma_start3A_488] : memref<4x125xi32, #tpu.memory_space<vmem>> -> memref<1x125xi32, #tpu.memory_space<vmem>>
        %dma_start3A_490 = tpu.memref_squeeze %dma_start3A_489 : memref<1x125xi32, #tpu.memory_space<vmem>> -> memref<125xi32, #tpu.memory_space<vmem>>
        %dma_start3A_491 = arith.constant 0 : i32
        %dma_start3A_492 = tpu.memref_slice %arg3[%dma_start3A_480, %add3A_465, %dma_start3A_491] : memref<2x2560x125xi32, #tpu.memory_space<hbm>> -> memref<1x1x125xi32, #tpu.memory_space<hbm>>
        %dma_start3A_493 = tpu.memref_squeeze %dma_start3A_492 : memref<1x1x125xi32, #tpu.memory_space<hbm>> -> memref<125xi32, #tpu.memory_space<hbm>>
        tpu.enqueue_dma source(%dma_start3A_493 : memref<125xi32, #tpu.memory_space<hbm>>) target(%dma_start3A_490 : memref<125xi32, #tpu.memory_space<vmem>>) target_semaphore(%arg20 : memref<!tpu.dma_semaphore, #tpu.memory_space<semaphore_mem>>)
      } else {
      }
      %add3A_342 = arith.constant 2 : i32
      %add3A_343 = arith.addi %add3A_314, %add3A_342 : i32
      %lt3A_344 = arith.constant 80 : i32
      %lt3A_345 = arith.cmpi slt, %add3A_343, %lt3A_344 : i32
      %convert_element_type3A_346 = arith.extui %lt3A_345 : i1 to i32
      %cond3A_347 = arith.constant 0 : i32
      %cond3A_348 = arith.cmpi ne, %convert_element_type3A_346, %cond3A_347 : i32
      scf.if %cond3A_348 {
        %dma_wait3A_463 = arith.constant 0 : i32
        %dma_wait3A_464 = arith.constant 0 : i32
        %dma_wait3A_465 = arith.constant 2 : i32
        %dma_wait3A_466 = arith.constant 0 : i32
        %dma_wait3A_467 = tpu.memref_slice %arg10[%dma_wait3A_465, %dma_wait3A_466] : memref<4x125xi32, #tpu.memory_space<vmem>> -> memref<1x125xi32, #tpu.memory_space<vmem>>
        %dma_wait3A_468 = tpu.memref_squeeze %dma_wait3A_467 : memref<1x125xi32, #tpu.memory_space<vmem>> -> memref<125xi32, #tpu.memory_space<vmem>>
        %dma_wait3A_469 = arith.constant 0 : i32
        %dma_wait3A_470 = tpu.memref_slice %arg3[%dma_wait3A_463, %dma_wait3A_464, %dma_wait3A_469] : memref<2x2560x125xi32, #tpu.memory_space<hbm>> -> memref<1x1x125xi32, #tpu.memory_space<hbm>>
        %dma_wait3A_471 = tpu.memref_squeeze %dma_wait3A_470 : memref<1x1x125xi32, #tpu.memory_space<hbm>> -> memref<125xi32, #tpu.memory_space<hbm>>
        %dma_wait3A_472 = arith.constant 0 : i32
        %dma_wait3A_473 = tpu.memref_slice %arg10[%dma_wait3A_465, %dma_wait3A_472] : memref<4x125xi32, #tpu.memory_space<vmem>> -> memref<1x125xi32, #tpu.memory_space<vmem>>
        %dma_wait3A_474 = tpu.memref_squeeze %dma_wait3A_473 : memref<1x125xi32, #tpu.memory_space<vmem>> -> memref<125xi32, #tpu.memory_space<vmem>>
        %dma_wait3A_475 = arith.constant 0 : i32
        %dma_wait3A_476 = tpu.memref_slice %arg3[%dma_wait3A_463, %dma_wait3A_464, %dma_wait3A_475] : memref<2x2560x125xi32, #tpu.memory_space<hbm>> -> memref<1x1x125xi32, #tpu.memory_space<hbm>>
        %dma_wait3A_477 = tpu.memref_squeeze %dma_wait3A_476 : memref<1x1x125xi32, #tpu.memory_space<hbm>> -> memref<125xi32, #tpu.memory_space<hbm>>
        tpu.wait_dma2 semaphore(%arg22 : memref<!tpu.dma_semaphore, #tpu.memory_space<semaphore_mem>>) src(%dma_wait3A_477 : memref<125xi32, #tpu.memory_space<hbm>>) dst(%dma_wait3A_474 : memref<125xi32, #tpu.memory_space<vmem>>)
        %dma_wait3A_478 = arith.constant 1 : i32
        %dma_wait3A_479 = arith.constant 0 : i32
        %dma_wait3A_480 = arith.constant 2 : i32
        %dma_wait3A_481 = arith.constant 0 : i32
        %dma_wait3A_482 = tpu.memref_slice %arg11[%dma_wait3A_480, %dma_wait3A_481] : memref<4x125xi32, #tpu.memory_space<vmem>> -> memref<1x125xi32, #tpu.memory_space<vmem>>
        %dma_wait3A_483 = tpu.memref_squeeze %dma_wait3A_482 : memref<1x125xi32, #tpu.memory_space<vmem>> -> memref<125xi32, #tpu.memory_space<vmem>>
        %dma_wait3A_484 = arith.constant 0 : i32
        %dma_wait3A_485 = tpu.memref_slice %arg3[%dma_wait3A_478, %dma_wait3A_479, %dma_wait3A_484] : memref<2x2560x125xi32, #tpu.memory_space<hbm>> -> memref<1x1x125xi32, #tpu.memory_space<hbm>>
        %dma_wait3A_486 = tpu.memref_squeeze %dma_wait3A_485 : memref<1x1x125xi32, #tpu.memory_space<hbm>> -> memref<125xi32, #tpu.memory_space<hbm>>
        %dma_wait3A_487 = arith.constant 0 : i32
        %dma_wait3A_488 = tpu.memref_slice %arg11[%dma_wait3A_480, %dma_wait3A_487] : memref<4x125xi32, #tpu.memory_space<vmem>> -> memref<1x125xi32, #tpu.memory_space<vmem>>
        %dma_wait3A_489 = tpu.memref_squeeze %dma_wait3A_488 : memref<1x125xi32, #tpu.memory_space<vmem>> -> memref<125xi32, #tpu.memory_space<vmem>>
        %dma_wait3A_490 = arith.constant 0 : i32
        %dma_wait3A_491 = tpu.memref_slice %arg3[%dma_wait3A_478, %dma_wait3A_479, %dma_wait3A_490] : memref<2x2560x125xi32, #tpu.memory_space<hbm>> -> memref<1x1x125xi32, #tpu.memory_space<hbm>>
        %dma_wait3A_492 = tpu.memref_squeeze %dma_wait3A_491 : memref<1x1x125xi32, #tpu.memory_space<hbm>> -> memref<125xi32, #tpu.memory_space<hbm>>
        tpu.wait_dma2 semaphore(%arg22 : memref<!tpu.dma_semaphore, #tpu.memory_space<semaphore_mem>>) src(%dma_wait3A_492 : memref<125xi32, #tpu.memory_space<hbm>>) dst(%dma_wait3A_489 : memref<125xi32, #tpu.memory_space<vmem>>)
        %dma_start3A_493 = arith.constant 2 : i32
        %dma_start3A_494 = arith.constant 0 : i32
        %dma_start3A_495 = tpu.memref_slice %arg10[%dma_start3A_493, %dma_start3A_494] : memref<4x125xi32, #tpu.memory_space<vmem>> -> memref<1x125xi32, #tpu.memory_space<vmem>>
        %dma_start3A_496 = tpu.memref_squeeze %dma_start3A_495 : memref<1x125xi32, #tpu.memory_space<vmem>> -> memref<125xi32, #tpu.memory_space<vmem>>
        %dma_start3A_497 = arith.constant 0 : i32
        %dma_start3A_498 = arith.constant 0 : i32
        %dma_start3A_499 = tpu.memref_slice %arg2[%dma_start3A_497, %dma_start3A_498] : memref<10000x128xbf16, #tpu.memory_space<hbm>> -> memref<10000x128xbf16, #tpu.memory_space<hbm>>
        tpu.enqueue_indirect_dma source(%dma_start3A_499 : memref<10000x128xbf16, #tpu.memory_space<hbm>>) target(%arg12 : memref<125x128xbf16, #tpu.memory_space<vmem>>) offsets(%dma_start3A_496 : memref<125xi32, #tpu.memory_space<vmem>>) semaphore(%arg17 : memref<!tpu.dma_semaphore, #tpu.memory_space<semaphore_mem>>)
      } else {
      }
      %add3A_349 = arith.constant 1 : i32
      %add3A_350 = arith.addi %mul3A_312, %add3A_349 : i32
      %dma_wait3A_351 = arith.constant 1 : i32
      %dma_wait3A_352 = arith.constant 0 : i32
      %dma_wait3A_353 = tpu.memref_slice %arg10[%dma_wait3A_351, %dma_wait3A_352] : memref<4x125xi32, #tpu.memory_space<vmem>> -> memref<1x125xi32, #tpu.memory_space<vmem>>
      %dma_wait3A_354 = tpu.memref_squeeze %dma_wait3A_353 : memref<1x125xi32, #tpu.memory_space<vmem>> -> memref<125xi32, #tpu.memory_space<vmem>>
      %dma_wait3A_355 = arith.constant 0 : i32
      %dma_wait3A_356 = arith.constant 0 : i32
      %dma_wait3A_357 = tpu.memref_slice %arg2[%dma_wait3A_355, %dma_wait3A_356] : memref<10000x128xbf16, #tpu.memory_space<hbm>> -> memref<10000x128xbf16, #tpu.memory_space<hbm>>
      tpu.wait_indirect_dma semaphore(%arg18 : memref<!tpu.dma_semaphore, #tpu.memory_space<semaphore_mem>>) src(%dma_wait3A_357 : memref<10000x128xbf16, #tpu.memory_space<hbm>>) dst(%arg13 : memref<125x128xbf16, #tpu.memory_space<vmem>>)
      %dma_start3A_358 = arith.constant 1 : i32
      %dma_start3A_359 = arith.constant 0 : i32
      %dma_start3A_360 = tpu.memref_slice %arg11[%dma_start3A_358, %dma_start3A_359] : memref<4x125xi32, #tpu.memory_space<vmem>> -> memref<1x125xi32, #tpu.memory_space<vmem>>
      %dma_start3A_361 = tpu.memref_squeeze %dma_start3A_360 : memref<1x125xi32, #tpu.memory_space<vmem>> -> memref<125xi32, #tpu.memory_space<vmem>>
      %dma_start3A_362 = arith.constant 0 : i32
      %dma_start3A_363 = arith.constant 0 : i32
      %dma_start3A_364 = tpu.memref_slice %arg16[%dma_start3A_362, %dma_start3A_363] : memref<10240x16xf32, #tpu.memory_space<vmem_shared>> -> memref<10240x16xf32, #tpu.memory_space<vmem_shared>>
      tpu.enqueue_indirect_dma source(%arg14 : memref<125x16xf32, #tpu.memory_space<vmem>>) target(%dma_start3A_364 : memref<10240x16xf32, #tpu.memory_space<vmem_shared>>) offsets(%dma_start3A_361 : memref<125xi32, #tpu.memory_space<vmem>>) semaphore(%arg19 : memref<!tpu.dma_semaphore, #tpu.memory_space<semaphore_mem>>) {add = true}
      %run_scoped3A_365 = arith.constant 1 : i32
      "tpu.region"() ({
        %run_scoped3A_463 = tpu.sem_alloc : memref<!tpu.dma_semaphore, #tpu.memory_space<semaphore_mem>>
        %dma_start3A_464 = arith.constant 0 : i32
        %dma_start3A_465 = tpu.memref_slice %arg11[%run_scoped3A_365, %dma_start3A_464] : memref<4x125xi32, #tpu.memory_space<vmem>> -> memref<1x125xi32, #tpu.memory_space<vmem>>
        %dma_start3A_466 = tpu.memref_squeeze %dma_start3A_465 : memref<1x125xi32, #tpu.memory_space<vmem>> -> memref<125xi32, #tpu.memory_space<vmem>>
        %dma_start3A_467 = arith.constant 0 : i32
        %dma_start3A_468 = arith.constant 0 : i32
        %dma_start3A_469 = tpu.memref_slice %arg15[%dma_start3A_467, %dma_start3A_468] : memref<10000x128xbf16, #tpu.memory_space<vmem_shared>> -> memref<10000x128xbf16, #tpu.memory_space<vmem_shared>>
        tpu.enqueue_indirect_dma source(%arg13 : memref<125x128xbf16, #tpu.memory_space<vmem>>) target(%dma_start3A_469 : memref<10000x128xbf16, #tpu.memory_space<vmem_shared>>) offsets(%dma_start3A_466 : memref<125xi32, #tpu.memory_space<vmem>>) semaphore(%run_scoped3A_463 : memref<!tpu.dma_semaphore, #tpu.memory_space<semaphore_mem>>) {add = true}
        %dma_wait3A_470 = arith.constant 0 : i32
        %dma_wait3A_471 = tpu.memref_slice %arg11[%run_scoped3A_365, %dma_wait3A_470] : memref<4x125xi32, #tpu.memory_space<vmem>> -> memref<1x125xi32, #tpu.memory_space<vmem>>
        %dma_wait3A_472 = tpu.memref_squeeze %dma_wait3A_471 : memref<1x125xi32, #tpu.memory_space<vmem>> -> memref<125xi32, #tpu.memory_space<vmem>>
        %dma_wait3A_473 = arith.constant 0 : i32
        %dma_wait3A_474 = arith.constant 0 : i32
        %dma_wait3A_475 = tpu.memref_slice %arg15[%dma_wait3A_473, %dma_wait3A_474] : memref<10000x128xbf16, #tpu.memory_space<vmem_shared>> -> memref<10000x128xbf16, #tpu.memory_space<vmem_shared>>
        tpu.wait_indirect_dma semaphore(%run_scoped3A_463 : memref<!tpu.dma_semaphore, #tpu.memory_space<semaphore_mem>>) src(%arg13 : memref<125x128xbf16, #tpu.memory_space<vmem>>) dst(%dma_wait3A_475 : memref<10000x128xbf16, #tpu.memory_space<vmem_shared>>)
        tpu.yield
      }) : () -> ()
      %dma_wait3A_366 = arith.constant 1 : i32
      %dma_wait3A_367 = arith.constant 0 : i32
      %dma_wait3A_368 = tpu.memref_slice %arg11[%dma_wait3A_366, %dma_wait3A_367] : memref<4x125xi32, #tpu.memory_space<vmem>> -> memref<1x125xi32, #tpu.memory_space<vmem>>
      %dma_wait3A_369 = tpu.memref_squeeze %dma_wait3A_368 : memref<1x125xi32, #tpu.memory_space<vmem>> -> memref<125xi32, #tpu.memory_space<vmem>>
      %dma_wait3A_370 = arith.constant 0 : i32
      %dma_wait3A_371 = arith.constant 0 : i32
      %dma_wait3A_372 = tpu.memref_slice %arg16[%dma_wait3A_370, %dma_wait3A_371] : memref<10240x16xf32, #tpu.memory_space<vmem_shared>> -> memref<10240x16xf32, #tpu.memory_space<vmem_shared>>
      tpu.wait_indirect_dma semaphore(%arg19 : memref<!tpu.dma_semaphore, #tpu.memory_space<semaphore_mem>>) src(%arg14 : memref<125x16xf32, #tpu.memory_space<vmem>>) dst(%dma_wait3A_372 : memref<10240x16xf32, #tpu.memory_space<vmem_shared>>)
      %add3A_373 = arith.constant 4 : i32
      %add3A_374 = arith.addi %add3A_350, %add3A_373 : i32
      %lt3A_375 = arith.constant 80 : i32
      %lt3A_376 = arith.cmpi slt, %add3A_374, %lt3A_375 : i32
      %convert_element_type3A_377 = arith.extui %lt3A_376 : i1 to i32
      %cond3A_378 = arith.constant 0 : i32
      %cond3A_379 = arith.cmpi ne, %convert_element_type3A_377, %cond3A_378 : i32
      scf.if %cond3A_379 {
        %add3A_463 = arith.addi %mul3A_2, %add3A_350 : i32
        %add3A_464 = arith.constant 4 : i32
        %add3A_465 = arith.addi %add3A_463, %add3A_464 : i32
        %dma_start3A_466 = arith.constant 0 : i32
        %dma_start3A_467 = arith.constant 1 : i32
        %dma_start3A_468 = arith.constant 0 : i32
        %dma_start3A_469 = tpu.memref_slice %arg10[%dma_start3A_467, %dma_start3A_468] : memref<4x125xi32, #tpu.memory_space<vmem>> -> memref<1x125xi32, #tpu.memory_space<vmem>>
        %dma_start3A_470 = tpu.memref_squeeze %dma_start3A_469 : memref<1x125xi32, #tpu.memory_space<vmem>> -> memref<125xi32, #tpu.memory_space<vmem>>
        %dma_start3A_471 = arith.constant 0 : i32
        %dma_start3A_472 = tpu.memref_slice %arg3[%dma_start3A_466, %add3A_465, %dma_start3A_471] : memref<2x2560x125xi32, #tpu.memory_space<hbm>> -> memref<1x1x125xi32, #tpu.memory_space<hbm>>
        %dma_start3A_473 = tpu.memref_squeeze %dma_start3A_472 : memref<1x1x125xi32, #tpu.memory_space<hbm>> -> memref<125xi32, #tpu.memory_space<hbm>>
        %dma_start3A_474 = arith.constant 0 : i32
        %dma_start3A_475 = tpu.memref_slice %arg10[%dma_start3A_467, %dma_start3A_474] : memref<4x125xi32, #tpu.memory_space<vmem>> -> memref<1x125xi32, #tpu.memory_space<vmem>>
        %dma_start3A_476 = tpu.memref_squeeze %dma_start3A_475 : memref<1x125xi32, #tpu.memory_space<vmem>> -> memref<125xi32, #tpu.memory_space<vmem>>
        %dma_start3A_477 = arith.constant 0 : i32
        %dma_start3A_478 = tpu.memref_slice %arg3[%dma_start3A_466, %add3A_465, %dma_start3A_477] : memref<2x2560x125xi32, #tpu.memory_space<hbm>> -> memref<1x1x125xi32, #tpu.memory_space<hbm>>
        %dma_start3A_479 = tpu.memref_squeeze %dma_start3A_478 : memref<1x1x125xi32, #tpu.memory_space<hbm>> -> memref<125xi32, #tpu.memory_space<hbm>>
        tpu.enqueue_dma source(%dma_start3A_479 : memref<125xi32, #tpu.memory_space<hbm>>) target(%dma_start3A_476 : memref<125xi32, #tpu.memory_space<vmem>>) target_semaphore(%arg21 : memref<!tpu.dma_semaphore, #tpu.memory_space<semaphore_mem>>)
        %dma_start3A_480 = arith.constant 1 : i32
        %dma_start3A_481 = arith.constant 1 : i32
        %dma_start3A_482 = arith.constant 0 : i32
        %dma_start3A_483 = tpu.memref_slice %arg11[%dma_start3A_481, %dma_start3A_482] : memref<4x125xi32, #tpu.memory_space<vmem>> -> memref<1x125xi32, #tpu.memory_space<vmem>>
        %dma_start3A_484 = tpu.memref_squeeze %dma_start3A_483 : memref<1x125xi32, #tpu.memory_space<vmem>> -> memref<125xi32, #tpu.memory_space<vmem>>
        %dma_start3A_485 = arith.constant 0 : i32
        %dma_start3A_486 = tpu.memref_slice %arg3[%dma_start3A_480, %add3A_465, %dma_start3A_485] : memref<2x2560x125xi32, #tpu.memory_space<hbm>> -> memref<1x1x125xi32, #tpu.memory_space<hbm>>
        %dma_start3A_487 = tpu.memref_squeeze %dma_start3A_486 : memref<1x1x125xi32, #tpu.memory_space<hbm>> -> memref<125xi32, #tpu.memory_space<hbm>>
        %dma_start3A_488 = arith.constant 0 : i32
        %dma_start3A_489 = tpu.memref_slice %arg11[%dma_start3A_481, %dma_start3A_488] : memref<4x125xi32, #tpu.memory_space<vmem>> -> memref<1x125xi32, #tpu.memory_space<vmem>>
        %dma_start3A_490 = tpu.memref_squeeze %dma_start3A_489 : memref<1x125xi32, #tpu.memory_space<vmem>> -> memref<125xi32, #tpu.memory_space<vmem>>
        %dma_start3A_491 = arith.constant 0 : i32
        %dma_start3A_492 = tpu.memref_slice %arg3[%dma_start3A_480, %add3A_465, %dma_start3A_491] : memref<2x2560x125xi32, #tpu.memory_space<hbm>> -> memref<1x1x125xi32, #tpu.memory_space<hbm>>
        %dma_start3A_493 = tpu.memref_squeeze %dma_start3A_492 : memref<1x1x125xi32, #tpu.memory_space<hbm>> -> memref<125xi32, #tpu.memory_space<hbm>>
        tpu.enqueue_dma source(%dma_start3A_493 : memref<125xi32, #tpu.memory_space<hbm>>) target(%dma_start3A_490 : memref<125xi32, #tpu.memory_space<vmem>>) target_semaphore(%arg21 : memref<!tpu.dma_semaphore, #tpu.memory_space<semaphore_mem>>)
      } else {
      }
      %add3A_380 = arith.constant 2 : i32
      %add3A_381 = arith.addi %add3A_350, %add3A_380 : i32
      %lt3A_382 = arith.constant 80 : i32
      %lt3A_383 = arith.cmpi slt, %add3A_381, %lt3A_382 : i32
      %convert_element_type3A_384 = arith.extui %lt3A_383 : i1 to i32
      %cond3A_385 = arith.constant 0 : i32
      %cond3A_386 = arith.cmpi ne, %convert_element_type3A_384, %cond3A_385 : i32
      scf.if %cond3A_386 {
        %dma_wait3A_463 = arith.constant 0 : i32
        %dma_wait3A_464 = arith.constant 0 : i32
        %dma_wait3A_465 = arith.constant 3 : i32
        %dma_wait3A_466 = arith.constant 0 : i32
        %dma_wait3A_467 = tpu.memref_slice %arg10[%dma_wait3A_465, %dma_wait3A_466] : memref<4x125xi32, #tpu.memory_space<vmem>> -> memref<1x125xi32, #tpu.memory_space<vmem>>
        %dma_wait3A_468 = tpu.memref_squeeze %dma_wait3A_467 : memref<1x125xi32, #tpu.memory_space<vmem>> -> memref<125xi32, #tpu.memory_space<vmem>>
        %dma_wait3A_469 = arith.constant 0 : i32
        %dma_wait3A_470 = tpu.memref_slice %arg3[%dma_wait3A_463, %dma_wait3A_464, %dma_wait3A_469] : memref<2x2560x125xi32, #tpu.memory_space<hbm>> -> memref<1x1x125xi32, #tpu.memory_space<hbm>>
        %dma_wait3A_471 = tpu.memref_squeeze %dma_wait3A_470 : memref<1x1x125xi32, #tpu.memory_space<hbm>> -> memref<125xi32, #tpu.memory_space<hbm>>
        %dma_wait3A_472 = arith.constant 0 : i32
        %dma_wait3A_473 = tpu.memref_slice %arg10[%dma_wait3A_465, %dma_wait3A_472] : memref<4x125xi32, #tpu.memory_space<vmem>> -> memref<1x125xi32, #tpu.memory_space<vmem>>
        %dma_wait3A_474 = tpu.memref_squeeze %dma_wait3A_473 : memref<1x125xi32, #tpu.memory_space<vmem>> -> memref<125xi32, #tpu.memory_space<vmem>>
        %dma_wait3A_475 = arith.constant 0 : i32
        %dma_wait3A_476 = tpu.memref_slice %arg3[%dma_wait3A_463, %dma_wait3A_464, %dma_wait3A_475] : memref<2x2560x125xi32, #tpu.memory_space<hbm>> -> memref<1x1x125xi32, #tpu.memory_space<hbm>>
        %dma_wait3A_477 = tpu.memref_squeeze %dma_wait3A_476 : memref<1x1x125xi32, #tpu.memory_space<hbm>> -> memref<125xi32, #tpu.memory_space<hbm>>
        tpu.wait_dma2 semaphore(%arg23 : memref<!tpu.dma_semaphore, #tpu.memory_space<semaphore_mem>>) src(%dma_wait3A_477 : memref<125xi32, #tpu.memory_space<hbm>>) dst(%dma_wait3A_474 : memref<125xi32, #tpu.memory_space<vmem>>)
        %dma_wait3A_478 = arith.constant 1 : i32
        %dma_wait3A_479 = arith.constant 0 : i32
        %dma_wait3A_480 = arith.constant 3 : i32
        %dma_wait3A_481 = arith.constant 0 : i32
        %dma_wait3A_482 = tpu.memref_slice %arg11[%dma_wait3A_480, %dma_wait3A_481] : memref<4x125xi32, #tpu.memory_space<vmem>> -> memref<1x125xi32, #tpu.memory_space<vmem>>
        %dma_wait3A_483 = tpu.memref_squeeze %dma_wait3A_482 : memref<1x125xi32, #tpu.memory_space<vmem>> -> memref<125xi32, #tpu.memory_space<vmem>>
        %dma_wait3A_484 = arith.constant 0 : i32
        %dma_wait3A_485 = tpu.memref_slice %arg3[%dma_wait3A_478, %dma_wait3A_479, %dma_wait3A_484] : memref<2x2560x125xi32, #tpu.memory_space<hbm>> -> memref<1x1x125xi32, #tpu.memory_space<hbm>>
        %dma_wait3A_486 = tpu.memref_squeeze %dma_wait3A_485 : memref<1x1x125xi32, #tpu.memory_space<hbm>> -> memref<125xi32, #tpu.memory_space<hbm>>
        %dma_wait3A_487 = arith.constant 0 : i32
        %dma_wait3A_488 = tpu.memref_slice %arg11[%dma_wait3A_480, %dma_wait3A_487] : memref<4x125xi32, #tpu.memory_space<vmem>> -> memref<1x125xi32, #tpu.memory_space<vmem>>
        %dma_wait3A_489 = tpu.memref_squeeze %dma_wait3A_488 : memref<1x125xi32, #tpu.memory_space<vmem>> -> memref<125xi32, #tpu.memory_space<vmem>>
        %dma_wait3A_490 = arith.constant 0 : i32
        %dma_wait3A_491 = tpu.memref_slice %arg3[%dma_wait3A_478, %dma_wait3A_479, %dma_wait3A_490] : memref<2x2560x125xi32, #tpu.memory_space<hbm>> -> memref<1x1x125xi32, #tpu.memory_space<hbm>>
        %dma_wait3A_492 = tpu.memref_squeeze %dma_wait3A_491 : memref<1x1x125xi32, #tpu.memory_space<hbm>> -> memref<125xi32, #tpu.memory_space<hbm>>
        tpu.wait_dma2 semaphore(%arg23 : memref<!tpu.dma_semaphore, #tpu.memory_space<semaphore_mem>>) src(%dma_wait3A_492 : memref<125xi32, #tpu.memory_space<hbm>>) dst(%dma_wait3A_489 : memref<125xi32, #tpu.memory_space<vmem>>)
        %dma_start3A_493 = arith.constant 3 : i32
        %dma_start3A_494 = arith.constant 0 : i32
        %dma_start3A_495 = tpu.memref_slice %arg10[%dma_start3A_493, %dma_start3A_494] : memref<4x125xi32, #tpu.memory_space<vmem>> -> memref<1x125xi32, #tpu.memory_space<vmem>>
        %dma_start3A_496 = tpu.memref_squeeze %dma_start3A_495 : memref<1x125xi32, #tpu.memory_space<vmem>> -> memref<125xi32, #tpu.memory_space<vmem>>
        %dma_start3A_497 = arith.constant 0 : i32
        %dma_start3A_498 = arith.constant 0 : i32
        %dma_start3A_499 = tpu.memref_slice %arg2[%dma_start3A_497, %dma_start3A_498] : memref<10000x128xbf16, #tpu.memory_space<hbm>> -> memref<10000x128xbf16, #tpu.memory_space<hbm>>
        tpu.enqueue_indirect_dma source(%dma_start3A_499 : memref<10000x128xbf16, #tpu.memory_space<hbm>>) target(%arg13 : memref<125x128xbf16, #tpu.memory_space<vmem>>) offsets(%dma_start3A_496 : memref<125xi32, #tpu.memory_space<vmem>>) semaphore(%arg18 : memref<!tpu.dma_semaphore, #tpu.memory_space<semaphore_mem>>)
      } else {
      }
      %add3A_387 = arith.constant 2 : i32
      %add3A_388 = arith.addi %mul3A_312, %add3A_387 : i32
      %dma_wait3A_389 = arith.constant 2 : i32
      %dma_wait3A_390 = arith.constant 0 : i32
      %dma_wait3A_391 = tpu.memref_slice %arg10[%dma_wait3A_389, %dma_wait3A_390] : memref<4x125xi32, #tpu.memory_space<vmem>> -> memref<1x125xi32, #tpu.memory_space<vmem>>
      %dma_wait3A_392 = tpu.memref_squeeze %dma_wait3A_391 : memref<1x125xi32, #tpu.memory_space<vmem>> -> memref<125xi32, #tpu.memory_space<vmem>>
      %dma_wait3A_393 = arith.constant 0 : i32
      %dma_wait3A_394 = arith.constant 0 : i32
      %dma_wait3A_395 = tpu.memref_slice %arg2[%dma_wait3A_393, %dma_wait3A_394] : memref<10000x128xbf16, #tpu.memory_space<hbm>> -> memref<10000x128xbf16, #tpu.memory_space<hbm>>
      tpu.wait_indirect_dma semaphore(%arg17 : memref<!tpu.dma_semaphore, #tpu.memory_space<semaphore_mem>>) src(%dma_wait3A_395 : memref<10000x128xbf16, #tpu.memory_space<hbm>>) dst(%arg12 : memref<125x128xbf16, #tpu.memory_space<vmem>>)
      %dma_start3A_396 = arith.constant 2 : i32
      %dma_start3A_397 = arith.constant 0 : i32
      %dma_start3A_398 = tpu.memref_slice %arg11[%dma_start3A_396, %dma_start3A_397] : memref<4x125xi32, #tpu.memory_space<vmem>> -> memref<1x125xi32, #tpu.memory_space<vmem>>
      %dma_start3A_399 = tpu.memref_squeeze %dma_start3A_398 : memref<1x125xi32, #tpu.memory_space<vmem>> -> memref<125xi32, #tpu.memory_space<vmem>>
      %dma_start3A_400 = arith.constant 0 : i32
      %dma_start3A_401 = arith.constant 0 : i32
      %dma_start3A_402 = tpu.memref_slice %arg16[%dma_start3A_400, %dma_start3A_401] : memref<10240x16xf32, #tpu.memory_space<vmem_shared>> -> memref<10240x16xf32, #tpu.memory_space<vmem_shared>>
      tpu.enqueue_indirect_dma source(%arg14 : memref<125x16xf32, #tpu.memory_space<vmem>>) target(%dma_start3A_402 : memref<10240x16xf32, #tpu.memory_space<vmem_shared>>) offsets(%dma_start3A_399 : memref<125xi32, #tpu.memory_space<vmem>>) semaphore(%arg19 : memref<!tpu.dma_semaphore, #tpu.memory_space<semaphore_mem>>) {add = true}
      %run_scoped3A_403 = arith.constant 2 : i32
      "tpu.region"() ({
        %run_scoped3A_463 = tpu.sem_alloc : memref<!tpu.dma_semaphore, #tpu.memory_space<semaphore_mem>>
        %dma_start3A_464 = arith.constant 0 : i32
        %dma_start3A_465 = tpu.memref_slice %arg11[%run_scoped3A_403, %dma_start3A_464] : memref<4x125xi32, #tpu.memory_space<vmem>> -> memref<1x125xi32, #tpu.memory_space<vmem>>
        %dma_start3A_466 = tpu.memref_squeeze %dma_start3A_465 : memref<1x125xi32, #tpu.memory_space<vmem>> -> memref<125xi32, #tpu.memory_space<vmem>>
        %dma_start3A_467 = arith.constant 0 : i32
        %dma_start3A_468 = arith.constant 0 : i32
        %dma_start3A_469 = tpu.memref_slice %arg15[%dma_start3A_467, %dma_start3A_468] : memref<10000x128xbf16, #tpu.memory_space<vmem_shared>> -> memref<10000x128xbf16, #tpu.memory_space<vmem_shared>>
        tpu.enqueue_indirect_dma source(%arg12 : memref<125x128xbf16, #tpu.memory_space<vmem>>) target(%dma_start3A_469 : memref<10000x128xbf16, #tpu.memory_space<vmem_shared>>) offsets(%dma_start3A_466 : memref<125xi32, #tpu.memory_space<vmem>>) semaphore(%run_scoped3A_463 : memref<!tpu.dma_semaphore, #tpu.memory_space<semaphore_mem>>) {add = true}
        %dma_wait3A_470 = arith.constant 0 : i32
        %dma_wait3A_471 = tpu.memref_slice %arg11[%run_scoped3A_403, %dma_wait3A_470] : memref<4x125xi32, #tpu.memory_space<vmem>> -> memref<1x125xi32, #tpu.memory_space<vmem>>
        %dma_wait3A_472 = tpu.memref_squeeze %dma_wait3A_471 : memref<1x125xi32, #tpu.memory_space<vmem>> -> memref<125xi32, #tpu.memory_space<vmem>>
        %dma_wait3A_473 = arith.constant 0 : i32
        %dma_wait3A_474 = arith.constant 0 : i32
        %dma_wait3A_475 = tpu.memref_slice %arg15[%dma_wait3A_473, %dma_wait3A_474] : memref<10000x128xbf16, #tpu.memory_space<vmem_shared>> -> memref<10000x128xbf16, #tpu.memory_space<vmem_shared>>
        tpu.wait_indirect_dma semaphore(%run_scoped3A_463 : memref<!tpu.dma_semaphore, #tpu.memory_space<semaphore_mem>>) src(%arg12 : memref<125x128xbf16, #tpu.memory_space<vmem>>) dst(%dma_wait3A_475 : memref<10000x128xbf16, #tpu.memory_space<vmem_shared>>)
        tpu.yield
      }) : () -> ()
      %dma_wait3A_404 = arith.constant 2 : i32
      %dma_wait3A_405 = arith.constant 0 : i32
      %dma_wait3A_406 = tpu.memref_slice %arg11[%dma_wait3A_404, %dma_wait3A_405] : memref<4x125xi32, #tpu.memory_space<vmem>> -> memref<1x125xi32, #tpu.memory_space<vmem>>
      %dma_wait3A_407 = tpu.memref_squeeze %dma_wait3A_406 : memref<1x125xi32, #tpu.memory_space<vmem>> -> memref<125xi32, #tpu.memory_space<vmem>>
      %dma_wait3A_408 = arith.constant 0 : i32
      %dma_wait3A_409 = arith.constant 0 : i32
      %dma_wait3A_410 = tpu.memref_slice %arg16[%dma_wait3A_408, %dma_wait3A_409] : memref<10240x16xf32, #tpu.memory_space<vmem_shared>> -> memref<10240x16xf32, #tpu.memory_space<vmem_shared>>
      tpu.wait_indirect_dma semaphore(%arg19 : memref<!tpu.dma_semaphore, #tpu.memory_space<semaphore_mem>>) src(%arg14 : memref<125x16xf32, #tpu.memory_space<vmem>>) dst(%dma_wait3A_410 : memref<10240x16xf32, #tpu.memory_space<vmem_shared>>)
      %add3A_411 = arith.constant 4 : i32
      %add3A_412 = arith.addi %add3A_388, %add3A_411 : i32
      %lt3A_413 = arith.constant 80 : i32
      %lt3A_414 = arith.cmpi slt, %add3A_412, %lt3A_413 : i32
      %convert_element_type3A_415 = arith.extui %lt3A_414 : i1 to i32
      %cond3A_416 = arith.constant 0 : i32
      %cond3A_417 = arith.cmpi ne, %convert_element_type3A_415, %cond3A_416 : i32
      scf.if %cond3A_417 {
        %add3A_463 = arith.addi %mul3A_2, %add3A_388 : i32
        %add3A_464 = arith.constant 4 : i32
        %add3A_465 = arith.addi %add3A_463, %add3A_464 : i32
        %dma_start3A_466 = arith.constant 0 : i32
        %dma_start3A_467 = arith.constant 2 : i32
        %dma_start3A_468 = arith.constant 0 : i32
        %dma_start3A_469 = tpu.memref_slice %arg10[%dma_start3A_467, %dma_start3A_468] : memref<4x125xi32, #tpu.memory_space<vmem>> -> memref<1x125xi32, #tpu.memory_space<vmem>>
        %dma_start3A_470 = tpu.memref_squeeze %dma_start3A_469 : memref<1x125xi32, #tpu.memory_space<vmem>> -> memref<125xi32, #tpu.memory_space<vmem>>
        %dma_start3A_471 = arith.constant 0 : i32
        %dma_start3A_472 = tpu.memref_slice %arg3[%dma_start3A_466, %add3A_465, %dma_start3A_471] : memref<2x2560x125xi32, #tpu.memory_space<hbm>> -> memref<1x1x125xi32, #tpu.memory_space<hbm>>
        %dma_start3A_473 = tpu.memref_squeeze %dma_start3A_472 : memref<1x1x125xi32, #tpu.memory_space<hbm>> -> memref<125xi32, #tpu.memory_space<hbm>>
        %dma_start3A_474 = arith.constant 0 : i32
        %dma_start3A_475 = tpu.memref_slice %arg10[%dma_start3A_467, %dma_start3A_474] : memref<4x125xi32, #tpu.memory_space<vmem>> -> memref<1x125xi32, #tpu.memory_space<vmem>>
        %dma_start3A_476 = tpu.memref_squeeze %dma_start3A_475 : memref<1x125xi32, #tpu.memory_space<vmem>> -> memref<125xi32, #tpu.memory_space<vmem>>
        %dma_start3A_477 = arith.constant 0 : i32
        %dma_start3A_478 = tpu.memref_slice %arg3[%dma_start3A_466, %add3A_465, %dma_start3A_477] : memref<2x2560x125xi32, #tpu.memory_space<hbm>> -> memref<1x1x125xi32, #tpu.memory_space<hbm>>
        %dma_start3A_479 = tpu.memref_squeeze %dma_start3A_478 : memref<1x1x125xi32, #tpu.memory_space<hbm>> -> memref<125xi32, #tpu.memory_space<hbm>>
        tpu.enqueue_dma source(%dma_start3A_479 : memref<125xi32, #tpu.memory_space<hbm>>) target(%dma_start3A_476 : memref<125xi32, #tpu.memory_space<vmem>>) target_semaphore(%arg22 : memref<!tpu.dma_semaphore, #tpu.memory_space<semaphore_mem>>)
        %dma_start3A_480 = arith.constant 1 : i32
        %dma_start3A_481 = arith.constant 2 : i32
        %dma_start3A_482 = arith.constant 0 : i32
        %dma_start3A_483 = tpu.memref_slice %arg11[%dma_start3A_481, %dma_start3A_482] : memref<4x125xi32, #tpu.memory_space<vmem>> -> memref<1x125xi32, #tpu.memory_space<vmem>>
        %dma_start3A_484 = tpu.memref_squeeze %dma_start3A_483 : memref<1x125xi32, #tpu.memory_space<vmem>> -> memref<125xi32, #tpu.memory_space<vmem>>
        %dma_start3A_485 = arith.constant 0 : i32
        %dma_start3A_486 = tpu.memref_slice %arg3[%dma_start3A_480, %add3A_465, %dma_start3A_485] : memref<2x2560x125xi32, #tpu.memory_space<hbm>> -> memref<1x1x125xi32, #tpu.memory_space<hbm>>
        %dma_start3A_487 = tpu.memref_squeeze %dma_start3A_486 : memref<1x1x125xi32, #tpu.memory_space<hbm>> -> memref<125xi32, #tpu.memory_space<hbm>>
        %dma_start3A_488 = arith.constant 0 : i32
        %dma_start3A_489 = tpu.memref_slice %arg11[%dma_start3A_481, %dma_start3A_488] : memref<4x125xi32, #tpu.memory_space<vmem>> -> memref<1x125xi32, #tpu.memory_space<vmem>>
        %dma_start3A_490 = tpu.memref_squeeze %dma_start3A_489 : memref<1x125xi32, #tpu.memory_space<vmem>> -> memref<125xi32, #tpu.memory_space<vmem>>
        %dma_start3A_491 = arith.constant 0 : i32
        %dma_start3A_492 = tpu.memref_slice %arg3[%dma_start3A_480, %add3A_465, %dma_start3A_491] : memref<2x2560x125xi32, #tpu.memory_space<hbm>> -> memref<1x1x125xi32, #tpu.memory_space<hbm>>
        %dma_start3A_493 = tpu.memref_squeeze %dma_start3A_492 : memref<1x1x125xi32, #tpu.memory_space<hbm>> -> memref<125xi32, #tpu.memory_space<hbm>>
        tpu.enqueue_dma source(%dma_start3A_493 : memref<125xi32, #tpu.memory_space<hbm>>) target(%dma_start3A_490 : memref<125xi32, #tpu.memory_space<vmem>>) target_semaphore(%arg22 : memref<!tpu.dma_semaphore, #tpu.memory_space<semaphore_mem>>)
      } else {
      }
      %add3A_418 = arith.constant 2 : i32
      %add3A_419 = arith.addi %add3A_388, %add3A_418 : i32
      %lt3A_420 = arith.constant 80 : i32
      %lt3A_421 = arith.cmpi slt, %add3A_419, %lt3A_420 : i32
      %convert_element_type3A_422 = arith.extui %lt3A_421 : i1 to i32
      %cond3A_423 = arith.constant 0 : i32
      %cond3A_424 = arith.cmpi ne, %convert_element_type3A_422, %cond3A_423 : i32
      scf.if %cond3A_424 {
        %dma_wait3A_463 = arith.constant 0 : i32
        %dma_wait3A_464 = arith.constant 0 : i32
        %dma_wait3A_465 = arith.constant 0 : i32
        %dma_wait3A_466 = arith.constant 0 : i32
        %dma_wait3A_467 = tpu.memref_slice %arg10[%dma_wait3A_465, %dma_wait3A_466] : memref<4x125xi32, #tpu.memory_space<vmem>> -> memref<1x125xi32, #tpu.memory_space<vmem>>
        %dma_wait3A_468 = tpu.memref_squeeze %dma_wait3A_467 : memref<1x125xi32, #tpu.memory_space<vmem>> -> memref<125xi32, #tpu.memory_space<vmem>>
        %dma_wait3A_469 = arith.constant 0 : i32
        %dma_wait3A_470 = tpu.memref_slice %arg3[%dma_wait3A_463, %dma_wait3A_464, %dma_wait3A_469] : memref<2x2560x125xi32, #tpu.memory_space<hbm>> -> memref<1x1x125xi32, #tpu.memory_space<hbm>>
        %dma_wait3A_471 = tpu.memref_squeeze %dma_wait3A_470 : memref<1x1x125xi32, #tpu.memory_space<hbm>> -> memref<125xi32, #tpu.memory_space<hbm>>
        %dma_wait3A_472 = arith.constant 0 : i32
        %dma_wait3A_473 = tpu.memref_slice %arg10[%dma_wait3A_465, %dma_wait3A_472] : memref<4x125xi32, #tpu.memory_space<vmem>> -> memref<1x125xi32, #tpu.memory_space<vmem>>
        %dma_wait3A_474 = tpu.memref_squeeze %dma_wait3A_473 : memref<1x125xi32, #tpu.memory_space<vmem>> -> memref<125xi32, #tpu.memory_space<vmem>>
        %dma_wait3A_475 = arith.constant 0 : i32
        %dma_wait3A_476 = tpu.memref_slice %arg3[%dma_wait3A_463, %dma_wait3A_464, %dma_wait3A_475] : memref<2x2560x125xi32, #tpu.memory_space<hbm>> -> memref<1x1x125xi32, #tpu.memory_space<hbm>>
        %dma_wait3A_477 = tpu.memref_squeeze %dma_wait3A_476 : memref<1x1x125xi32, #tpu.memory_space<hbm>> -> memref<125xi32, #tpu.memory_space<hbm>>
        tpu.wait_dma2 semaphore(%arg20 : memref<!tpu.dma_semaphore, #tpu.memory_space<semaphore_mem>>) src(%dma_wait3A_477 : memref<125xi32, #tpu.memory_space<hbm>>) dst(%dma_wait3A_474 : memref<125xi32, #tpu.memory_space<vmem>>)
        %dma_wait3A_478 = arith.constant 1 : i32
        %dma_wait3A_479 = arith.constant 0 : i32
        %dma_wait3A_480 = arith.constant 0 : i32
        %dma_wait3A_481 = arith.constant 0 : i32
        %dma_wait3A_482 = tpu.memref_slice %arg11[%dma_wait3A_480, %dma_wait3A_481] : memref<4x125xi32, #tpu.memory_space<vmem>> -> memref<1x125xi32, #tpu.memory_space<vmem>>
        %dma_wait3A_483 = tpu.memref_squeeze %dma_wait3A_482 : memref<1x125xi32, #tpu.memory_space<vmem>> -> memref<125xi32, #tpu.memory_space<vmem>>
        %dma_wait3A_484 = arith.constant 0 : i32
        %dma_wait3A_485 = tpu.memref_slice %arg3[%dma_wait3A_478, %dma_wait3A_479, %dma_wait3A_484] : memref<2x2560x125xi32, #tpu.memory_space<hbm>> -> memref<1x1x125xi32, #tpu.memory_space<hbm>>
        %dma_wait3A_486 = tpu.memref_squeeze %dma_wait3A_485 : memref<1x1x125xi32, #tpu.memory_space<hbm>> -> memref<125xi32, #tpu.memory_space<hbm>>
        %dma_wait3A_487 = arith.constant 0 : i32
        %dma_wait3A_488 = tpu.memref_slice %arg11[%dma_wait3A_480, %dma_wait3A_487] : memref<4x125xi32, #tpu.memory_space<vmem>> -> memref<1x125xi32, #tpu.memory_space<vmem>>
        %dma_wait3A_489 = tpu.memref_squeeze %dma_wait3A_488 : memref<1x125xi32, #tpu.memory_space<vmem>> -> memref<125xi32, #tpu.memory_space<vmem>>
        %dma_wait3A_490 = arith.constant 0 : i32
        %dma_wait3A_491 = tpu.memref_slice %arg3[%dma_wait3A_478, %dma_wait3A_479, %dma_wait3A_490] : memref<2x2560x125xi32, #tpu.memory_space<hbm>> -> memref<1x1x125xi32, #tpu.memory_space<hbm>>
        %dma_wait3A_492 = tpu.memref_squeeze %dma_wait3A_491 : memref<1x1x125xi32, #tpu.memory_space<hbm>> -> memref<125xi32, #tpu.memory_space<hbm>>
        tpu.wait_dma2 semaphore(%arg20 : memref<!tpu.dma_semaphore, #tpu.memory_space<semaphore_mem>>) src(%dma_wait3A_492 : memref<125xi32, #tpu.memory_space<hbm>>) dst(%dma_wait3A_489 : memref<125xi32, #tpu.memory_space<vmem>>)
        %dma_start3A_493 = arith.constant 0 : i32
        %dma_start3A_494 = arith.constant 0 : i32
        %dma_start3A_495 = tpu.memref_slice %arg10[%dma_start3A_493, %dma_start3A_494] : memref<4x125xi32, #tpu.memory_space<vmem>> -> memref<1x125xi32, #tpu.memory_space<vmem>>
        %dma_start3A_496 = tpu.memref_squeeze %dma_start3A_495 : memref<1x125xi32, #tpu.memory_space<vmem>> -> memref<125xi32, #tpu.memory_space<vmem>>
        %dma_start3A_497 = arith.constant 0 : i32
        %dma_start3A_498 = arith.constant 0 : i32
        %dma_start3A_499 = tpu.memref_slice %arg2[%dma_start3A_497, %dma_start3A_498] : memref<10000x128xbf16, #tpu.memory_space<hbm>> -> memref<10000x128xbf16, #tpu.memory_space<hbm>>
        tpu.enqueue_indirect_dma source(%dma_start3A_499 : memref<10000x128xbf16, #tpu.memory_space<hbm>>) target(%arg12 : memref<125x128xbf16, #tpu.memory_space<vmem>>) offsets(%dma_start3A_496 : memref<125xi32, #tpu.memory_space<vmem>>) semaphore(%arg17 : memref<!tpu.dma_semaphore, #tpu.memory_space<semaphore_mem>>)
      } else {
      }
      %add3A_425 = arith.constant 3 : i32
      %add3A_426 = arith.addi %mul3A_312, %add3A_425 : i32
      %dma_wait3A_427 = arith.constant 3 : i32
      %dma_wait3A_428 = arith.constant 0 : i32
      %dma_wait3A_429 = tpu.memref_slice %arg10[%dma_wait3A_427, %dma_wait3A_428] : memref<4x125xi32, #tpu.memory_space<vmem>> -> memref<1x125xi32, #tpu.memory_space<vmem>>
      %dma_wait3A_430 = tpu.memref_squeeze %dma_wait3A_429 : memref<1x125xi32, #tpu.memory_space<vmem>> -> memref<125xi32, #tpu.memory_space<vmem>>
      %dma_wait3A_431 = arith.constant 0 : i32
      %dma_wait3A_432 = arith.constant 0 : i32
      %dma_wait3A_433 = tpu.memref_slice %arg2[%dma_wait3A_431, %dma_wait3A_432] : memref<10000x128xbf16, #tpu.memory_space<hbm>> -> memref<10000x128xbf16, #tpu.memory_space<hbm>>
      tpu.wait_indirect_dma semaphore(%arg18 : memref<!tpu.dma_semaphore, #tpu.memory_space<semaphore_mem>>) src(%dma_wait3A_433 : memref<10000x128xbf16, #tpu.memory_space<hbm>>) dst(%arg13 : memref<125x128xbf16, #tpu.memory_space<vmem>>)
      %dma_start3A_434 = arith.constant 3 : i32
      %dma_start3A_435 = arith.constant 0 : i32
      %dma_start3A_436 = tpu.memref_slice %arg11[%dma_start3A_434, %dma_start3A_435] : memref<4x125xi32, #tpu.memory_space<vmem>> -> memref<1x125xi32, #tpu.memory_space<vmem>>
      %dma_start3A_437 = tpu.memref_squeeze %dma_start3A_436 : memref<1x125xi32, #tpu.memory_space<vmem>> -> memref<125xi32, #tpu.memory_space<vmem>>
      %dma_start3A_438 = arith.constant 0 : i32
      %dma_start3A_439 = arith.constant 0 : i32
      %dma_start3A_440 = tpu.memref_slice %arg16[%dma_start3A_438, %dma_start3A_439] : memref<10240x16xf32, #tpu.memory_space<vmem_shared>> -> memref<10240x16xf32, #tpu.memory_space<vmem_shared>>
      tpu.enqueue_indirect_dma source(%arg14 : memref<125x16xf32, #tpu.memory_space<vmem>>) target(%dma_start3A_440 : memref<10240x16xf32, #tpu.memory_space<vmem_shared>>) offsets(%dma_start3A_437 : memref<125xi32, #tpu.memory_space<vmem>>) semaphore(%arg19 : memref<!tpu.dma_semaphore, #tpu.memory_space<semaphore_mem>>) {add = true}
      %run_scoped3A_441 = arith.constant 3 : i32
      "tpu.region"() ({
        %run_scoped3A_463 = tpu.sem_alloc : memref<!tpu.dma_semaphore, #tpu.memory_space<semaphore_mem>>
        %dma_start3A_464 = arith.constant 0 : i32
        %dma_start3A_465 = tpu.memref_slice %arg11[%run_scoped3A_441, %dma_start3A_464] : memref<4x125xi32, #tpu.memory_space<vmem>> -> memref<1x125xi32, #tpu.memory_space<vmem>>
        %dma_start3A_466 = tpu.memref_squeeze %dma_start3A_465 : memref<1x125xi32, #tpu.memory_space<vmem>> -> memref<125xi32, #tpu.memory_space<vmem>>
        %dma_start3A_467 = arith.constant 0 : i32
        %dma_start3A_468 = arith.constant 0 : i32
        %dma_start3A_469 = tpu.memref_slice %arg15[%dma_start3A_467, %dma_start3A_468] : memref<10000x128xbf16, #tpu.memory_space<vmem_shared>> -> memref<10000x128xbf16, #tpu.memory_space<vmem_shared>>
        tpu.enqueue_indirect_dma source(%arg13 : memref<125x128xbf16, #tpu.memory_space<vmem>>) target(%dma_start3A_469 : memref<10000x128xbf16, #tpu.memory_space<vmem_shared>>) offsets(%dma_start3A_466 : memref<125xi32, #tpu.memory_space<vmem>>) semaphore(%run_scoped3A_463 : memref<!tpu.dma_semaphore, #tpu.memory_space<semaphore_mem>>) {add = true}
        %dma_wait3A_470 = arith.constant 0 : i32
        %dma_wait3A_471 = tpu.memref_slice %arg11[%run_scoped3A_441, %dma_wait3A_470] : memref<4x125xi32, #tpu.memory_space<vmem>> -> memref<1x125xi32, #tpu.memory_space<vmem>>
        %dma_wait3A_472 = tpu.memref_squeeze %dma_wait3A_471 : memref<1x125xi32, #tpu.memory_space<vmem>> -> memref<125xi32, #tpu.memory_space<vmem>>
        %dma_wait3A_473 = arith.constant 0 : i32
        %dma_wait3A_474 = arith.constant 0 : i32
        %dma_wait3A_475 = tpu.memref_slice %arg15[%dma_wait3A_473, %dma_wait3A_474] : memref<10000x128xbf16, #tpu.memory_space<vmem_shared>> -> memref<10000x128xbf16, #tpu.memory_space<vmem_shared>>
        tpu.wait_indirect_dma semaphore(%run_scoped3A_463 : memref<!tpu.dma_semaphore, #tpu.memory_space<semaphore_mem>>) src(%arg13 : memref<125x128xbf16, #tpu.memory_space<vmem>>) dst(%dma_wait3A_475 : memref<10000x128xbf16, #tpu.memory_space<vmem_shared>>)
        tpu.yield
      }) : () -> ()
      %dma_wait3A_442 = arith.constant 3 : i32
      %dma_wait3A_443 = arith.constant 0 : i32
      %dma_wait3A_444 = tpu.memref_slice %arg11[%dma_wait3A_442, %dma_wait3A_443] : memref<4x125xi32, #tpu.memory_space<vmem>> -> memref<1x125xi32, #tpu.memory_space<vmem>>
      %dma_wait3A_445 = tpu.memref_squeeze %dma_wait3A_444 : memref<1x125xi32, #tpu.memory_space<vmem>> -> memref<125xi32, #tpu.memory_space<vmem>>
      %dma_wait3A_446 = arith.constant 0 : i32
      %dma_wait3A_447 = arith.constant 0 : i32
      %dma_wait3A_448 = tpu.memref_slice %arg16[%dma_wait3A_446, %dma_wait3A_447] : memref<10240x16xf32, #tpu.memory_space<vmem_shared>> -> memref<10240x16xf32, #tpu.memory_space<vmem_shared>>
      tpu.wait_indirect_dma semaphore(%arg19 : memref<!tpu.dma_semaphore, #tpu.memory_space<semaphore_mem>>) src(%arg14 : memref<125x16xf32, #tpu.memory_space<vmem>>) dst(%dma_wait3A_448 : memref<10240x16xf32, #tpu.memory_space<vmem_shared>>)
      %add3A_449 = arith.constant 4 : i32
      %add3A_450 = arith.addi %add3A_426, %add3A_449 : i32
      %lt3A_451 = arith.constant 80 : i32
      %lt3A_452 = arith.cmpi slt, %add3A_450, %lt3A_451 : i32
      %convert_element_type3A_453 = arith.extui %lt3A_452 : i1 to i32
      %cond3A_454 = arith.constant 0 : i32
      %cond3A_455 = arith.cmpi ne, %convert_element_type3A_453, %cond3A_454 : i32
      scf.if %cond3A_455 {
        %add3A_463 = arith.addi %mul3A_2, %add3A_426 : i32
        %add3A_464 = arith.constant 4 : i32
        %add3A_465 = arith.addi %add3A_463, %add3A_464 : i32
        %dma_start3A_466 = arith.constant 0 : i32
        %dma_start3A_467 = arith.constant 3 : i32
        %dma_start3A_468 = arith.constant 0 : i32
        %dma_start3A_469 = tpu.memref_slice %arg10[%dma_start3A_467, %dma_start3A_468] : memref<4x125xi32, #tpu.memory_space<vmem>> -> memref<1x125xi32, #tpu.memory_space<vmem>>
        %dma_start3A_470 = tpu.memref_squeeze %dma_start3A_469 : memref<1x125xi32, #tpu.memory_space<vmem>> -> memref<125xi32, #tpu.memory_space<vmem>>
        %dma_start3A_471 = arith.constant 0 : i32
        %dma_start3A_472 = tpu.memref_slice %arg3[%dma_start3A_466, %add3A_465, %dma_start3A_471] : memref<2x2560x125xi32, #tpu.memory_space<hbm>> -> memref<1x1x125xi32, #tpu.memory_space<hbm>>
        %dma_start3A_473 = tpu.memref_squeeze %dma_start3A_472 : memref<1x1x125xi32, #tpu.memory_space<hbm>> -> memref<125xi32, #tpu.memory_space<hbm>>
        %dma_start3A_474 = arith.constant 0 : i32
        %dma_start3A_475 = tpu.memref_slice %arg10[%dma_start3A_467, %dma_start3A_474] : memref<4x125xi32, #tpu.memory_space<vmem>> -> memref<1x125xi32, #tpu.memory_space<vmem>>
        %dma_start3A_476 = tpu.memref_squeeze %dma_start3A_475 : memref<1x125xi32, #tpu.memory_space<vmem>> -> memref<125xi32, #tpu.memory_space<vmem>>
        %dma_start3A_477 = arith.constant 0 : i32
        %dma_start3A_478 = tpu.memref_slice %arg3[%dma_start3A_466, %add3A_465, %dma_start3A_477] : memref<2x2560x125xi32, #tpu.memory_space<hbm>> -> memref<1x1x125xi32, #tpu.memory_space<hbm>>
        %dma_start3A_479 = tpu.memref_squeeze %dma_start3A_478 : memref<1x1x125xi32, #tpu.memory_space<hbm>> -> memref<125xi32, #tpu.memory_space<hbm>>
        tpu.enqueue_dma source(%dma_start3A_479 : memref<125xi32, #tpu.memory_space<hbm>>) target(%dma_start3A_476 : memref<125xi32, #tpu.memory_space<vmem>>) target_semaphore(%arg23 : memref<!tpu.dma_semaphore, #tpu.memory_space<semaphore_mem>>)
        %dma_start3A_480 = arith.constant 1 : i32
        %dma_start3A_481 = arith.constant 3 : i32
        %dma_start3A_482 = arith.constant 0 : i32
        %dma_start3A_483 = tpu.memref_slice %arg11[%dma_start3A_481, %dma_start3A_482] : memref<4x125xi32, #tpu.memory_space<vmem>> -> memref<1x125xi32, #tpu.memory_space<vmem>>
        %dma_start3A_484 = tpu.memref_squeeze %dma_start3A_483 : memref<1x125xi32, #tpu.memory_space<vmem>> -> memref<125xi32, #tpu.memory_space<vmem>>
        %dma_start3A_485 = arith.constant 0 : i32
        %dma_start3A_486 = tpu.memref_slice %arg3[%dma_start3A_480, %add3A_465, %dma_start3A_485] : memref<2x2560x125xi32, #tpu.memory_space<hbm>> -> memref<1x1x125xi32, #tpu.memory_space<hbm>>
        %dma_start3A_487 = tpu.memref_squeeze %dma_start3A_486 : memref<1x1x125xi32, #tpu.memory_space<hbm>> -> memref<125xi32, #tpu.memory_space<hbm>>
        %dma_start3A_488 = arith.constant 0 : i32
        %dma_start3A_489 = tpu.memref_slice %arg11[%dma_start3A_481, %dma_start3A_488] : memref<4x125xi32, #tpu.memory_space<vmem>> -> memref<1x125xi32, #tpu.memory_space<vmem>>
        %dma_start3A_490 = tpu.memref_squeeze %dma_start3A_489 : memref<1x125xi32, #tpu.memory_space<vmem>> -> memref<125xi32, #tpu.memory_space<vmem>>
        %dma_start3A_491 = arith.constant 0 : i32
        %dma_start3A_492 = tpu.memref_slice %arg3[%dma_start3A_480, %add3A_465, %dma_start3A_491] : memref<2x2560x125xi32, #tpu.memory_space<hbm>> -> memref<1x1x125xi32, #tpu.memory_space<hbm>>
        %dma_start3A_493 = tpu.memref_squeeze %dma_start3A_492 : memref<1x1x125xi32, #tpu.memory_space<hbm>> -> memref<125xi32, #tpu.memory_space<hbm>>
        tpu.enqueue_dma source(%dma_start3A_493 : memref<125xi32, #tpu.memory_space<hbm>>) target(%dma_start3A_490 : memref<125xi32, #tpu.memory_space<vmem>>) target_semaphore(%arg23 : memref<!tpu.dma_semaphore, #tpu.memory_space<semaphore_mem>>)
      } else {
      }
      %add3A_456 = arith.constant 2 : i32
      %add3A_457 = arith.addi %add3A_426, %add3A_456 : i32
      %lt3A_458 = arith.constant 80 : i32
      %lt3A_459 = arith.cmpi slt, %add3A_457, %lt3A_458 : i32
      %convert_element_type3A_460 = arith.extui %lt3A_459 : i1 to i32
      %cond3A_461 = arith.constant 0 : i32
      %cond3A_462 = arith.cmpi ne, %convert_element_type3A_460, %cond3A_461 : i32
      scf.if %cond3A_462 {
        %dma_wait3A_463 = arith.constant 0 : i32
        %dma_wait3A_464 = arith.constant 0 : i32
        %dma_wait3A_465 = arith.constant 1 : i32
        %dma_wait3A_466 = arith.constant 0 : i32
        %dma_wait3A_467 = tpu.memref_slice %arg10[%dma_wait3A_465, %dma_wait3A_466] : memref<4x125xi32, #tpu.memory_space<vmem>> -> memref<1x125xi32, #tpu.memory_space<vmem>>
        %dma_wait3A_468 = tpu.memref_squeeze %dma_wait3A_467 : memref<1x125xi32, #tpu.memory_space<vmem>> -> memref<125xi32, #tpu.memory_space<vmem>>
        %dma_wait3A_469 = arith.constant 0 : i32
        %dma_wait3A_470 = tpu.memref_slice %arg3[%dma_wait3A_463, %dma_wait3A_464, %dma_wait3A_469] : memref<2x2560x125xi32, #tpu.memory_space<hbm>> -> memref<1x1x125xi32, #tpu.memory_space<hbm>>
        %dma_wait3A_471 = tpu.memref_squeeze %dma_wait3A_470 : memref<1x1x125xi32, #tpu.memory_space<hbm>> -> memref<125xi32, #tpu.memory_space<hbm>>
        %dma_wait3A_472 = arith.constant 0 : i32
        %dma_wait3A_473 = tpu.memref_slice %arg10[%dma_wait3A_465, %dma_wait3A_472] : memref<4x125xi32, #tpu.memory_space<vmem>> -> memref<1x125xi32, #tpu.memory_space<vmem>>
        %dma_wait3A_474 = tpu.memref_squeeze %dma_wait3A_473 : memref<1x125xi32, #tpu.memory_space<vmem>> -> memref<125xi32, #tpu.memory_space<vmem>>
        %dma_wait3A_475 = arith.constant 0 : i32
        %dma_wait3A_476 = tpu.memref_slice %arg3[%dma_wait3A_463, %dma_wait3A_464, %dma_wait3A_475] : memref<2x2560x125xi32, #tpu.memory_space<hbm>> -> memref<1x1x125xi32, #tpu.memory_space<hbm>>
        %dma_wait3A_477 = tpu.memref_squeeze %dma_wait3A_476 : memref<1x1x125xi32, #tpu.memory_space<hbm>> -> memref<125xi32, #tpu.memory_space<hbm>>
        tpu.wait_dma2 semaphore(%arg21 : memref<!tpu.dma_semaphore, #tpu.memory_space<semaphore_mem>>) src(%dma_wait3A_477 : memref<125xi32, #tpu.memory_space<hbm>>) dst(%dma_wait3A_474 : memref<125xi32, #tpu.memory_space<vmem>>)
        %dma_wait3A_478 = arith.constant 1 : i32
        %dma_wait3A_479 = arith.constant 0 : i32
        %dma_wait3A_480 = arith.constant 1 : i32
        %dma_wait3A_481 = arith.constant 0 : i32
        %dma_wait3A_482 = tpu.memref_slice %arg11[%dma_wait3A_480, %dma_wait3A_481] : memref<4x125xi32, #tpu.memory_space<vmem>> -> memref<1x125xi32, #tpu.memory_space<vmem>>
        %dma_wait3A_483 = tpu.memref_squeeze %dma_wait3A_482 : memref<1x125xi32, #tpu.memory_space<vmem>> -> memref<125xi32, #tpu.memory_space<vmem>>
        %dma_wait3A_484 = arith.constant 0 : i32
        %dma_wait3A_485 = tpu.memref_slice %arg3[%dma_wait3A_478, %dma_wait3A_479, %dma_wait3A_484] : memref<2x2560x125xi32, #tpu.memory_space<hbm>> -> memref<1x1x125xi32, #tpu.memory_space<hbm>>
        %dma_wait3A_486 = tpu.memref_squeeze %dma_wait3A_485 : memref<1x1x125xi32, #tpu.memory_space<hbm>> -> memref<125xi32, #tpu.memory_space<hbm>>
        %dma_wait3A_487 = arith.constant 0 : i32
        %dma_wait3A_488 = tpu.memref_slice %arg11[%dma_wait3A_480, %dma_wait3A_487] : memref<4x125xi32, #tpu.memory_space<vmem>> -> memref<1x125xi32, #tpu.memory_space<vmem>>
        %dma_wait3A_489 = tpu.memref_squeeze %dma_wait3A_488 : memref<1x125xi32, #tpu.memory_space<vmem>> -> memref<125xi32, #tpu.memory_space<vmem>>
        %dma_wait3A_490 = arith.constant 0 : i32
        %dma_wait3A_491 = tpu.memref_slice %arg3[%dma_wait3A_478, %dma_wait3A_479, %dma_wait3A_490] : memref<2x2560x125xi32, #tpu.memory_space<hbm>> -> memref<1x1x125xi32, #tpu.memory_space<hbm>>
        %dma_wait3A_492 = tpu.memref_squeeze %dma_wait3A_491 : memref<1x1x125xi32, #tpu.memory_space<hbm>> -> memref<125xi32, #tpu.memory_space<hbm>>
        tpu.wait_dma2 semaphore(%arg21 : memref<!tpu.dma_semaphore, #tpu.memory_space<semaphore_mem>>) src(%dma_wait3A_492 : memref<125xi32, #tpu.memory_space<hbm>>) dst(%dma_wait3A_489 : memref<125xi32, #tpu.memory_space<vmem>>)
        %dma_start3A_493 = arith.constant 1 : i32
        %dma_start3A_494 = arith.constant 0 : i32
        %dma_start3A_495 = tpu.memref_slice %arg10[%dma_start3A_493, %dma_start3A_494] : memref<4x125xi32, #tpu.memory_space<vmem>> -> memref<1x125xi32, #tpu.memory_space<vmem>>
        %dma_start3A_496 = tpu.memref_squeeze %dma_start3A_495 : memref<1x125xi32, #tpu.memory_space<vmem>> -> memref<125xi32, #tpu.memory_space<vmem>>
        %dma_start3A_497 = arith.constant 0 : i32
        %dma_start3A_498 = arith.constant 0 : i32
        %dma_start3A_499 = tpu.memref_slice %arg2[%dma_start3A_497, %dma_start3A_498] : memref<10000x128xbf16, #tpu.memory_space<hbm>> -> memref<10000x128xbf16, #tpu.memory_space<hbm>>
        tpu.enqueue_indirect_dma source(%dma_start3A_499 : memref<10000x128xbf16, #tpu.memory_space<hbm>>) target(%arg13 : memref<125x128xbf16, #tpu.memory_space<vmem>>) offsets(%dma_start3A_496 : memref<125xi32, #tpu.memory_space<vmem>>) semaphore(%arg18 : memref<!tpu.dma_semaphore, #tpu.memory_space<semaphore_mem>>)
      } else {
      }
    }
    %scan3A_301 = arith.constant 20 : i32
    %barrier3A_302 = arith.constant 0 : index
    tpu.barrier barrier_id(%barrier3A_302)
    %eq3A = arith.constant 0 : i32
    %eq3A_303 = arith.cmpi eq, %arg0, %eq3A : i32
    %convert_element_type3A = arith.extui %eq3A_303 : i1 to i32
    %cond3A = arith.constant 0 : i32
    %cond3A_304 = arith.cmpi ne, %convert_element_type3A, %cond3A : i32
    scf.if %cond3A_304 {
      %mul3A_310 = arith.constant 625 : i32
      %mul3A_311 = arith.muli %arg1, %mul3A_310 : i32
      %mul3A_312 = arith.constant 625 : i32
      %mul3A_313 = arith.muli %arg1, %mul3A_312 : i32
      %dma_start3A_314 = arith.constant 0 : i32
      %dma_start3A_315 = tpu.memref_slice %arg6[%mul3A_313, %dma_start3A_314] : memref<10000x128xbf16, #tpu.memory_space<hbm>> -> memref<625x128xbf16, #tpu.memory_space<hbm>>
      %dma_start3A_316 = arith.constant 0 : i32
      %dma_start3A_317 = tpu.memref_slice %arg15[%mul3A_311, %dma_start3A_316] : memref<10000x128xbf16, #tpu.memory_space<vmem_shared>> -> memref<625x128xbf16, #tpu.memory_space<vmem_shared>>
      tpu.enqueue_dma source(%dma_start3A_317 : memref<625x128xbf16, #tpu.memory_space<vmem_shared>>) target(%dma_start3A_315 : memref<625x128xbf16, #tpu.memory_space<hbm>>) target_semaphore(%arg17 : memref<!tpu.dma_semaphore, #tpu.memory_space<semaphore_mem>>)
      %mul3A_318 = arith.constant 640 : i32
      %mul3A_319 = arith.muli %arg1, %mul3A_318 : i32
      %mul3A_320 = arith.constant 640 : i32
      %mul3A_321 = arith.muli %arg1, %mul3A_320 : i32
      %dma_start3A_322 = arith.constant 0 : i32
      %dma_start3A_323 = tpu.memref_slice %arg8[%mul3A_321, %dma_start3A_322] : memref<10240x16xf32, #tpu.memory_space<hbm>> -> memref<640x16xf32, #tpu.memory_space<hbm>>
      %dma_start3A_324 = arith.constant 0 : i32
      %dma_start3A_325 = tpu.memref_slice %arg16[%mul3A_319, %dma_start3A_324] : memref<10240x16xf32, #tpu.memory_space<vmem_shared>> -> memref<640x16xf32, #tpu.memory_space<vmem_shared>>
      tpu.enqueue_dma source(%dma_start3A_325 : memref<640x16xf32, #tpu.memory_space<vmem_shared>>) target(%dma_start3A_323 : memref<640x16xf32, #tpu.memory_space<hbm>>) target_semaphore(%arg18 : memref<!tpu.dma_semaphore, #tpu.memory_space<semaphore_mem>>)
      %mul3A_326 = arith.constant 625 : i32
      %mul3A_327 = arith.muli %arg1, %mul3A_326 : i32
      %mul3A_328 = arith.constant 625 : i32
      %mul3A_329 = arith.muli %arg1, %mul3A_328 : i32
      %dma_wait3A_330 = arith.constant 0 : i32
      %dma_wait3A_331 = tpu.memref_slice %arg6[%mul3A_329, %dma_wait3A_330] : memref<10000x128xbf16, #tpu.memory_space<hbm>> -> memref<625x128xbf16, #tpu.memory_space<hbm>>
      %dma_wait3A_332 = arith.constant 0 : i32
      %dma_wait3A_333 = tpu.memref_slice %arg15[%mul3A_327, %dma_wait3A_332] : memref<10000x128xbf16, #tpu.memory_space<vmem_shared>> -> memref<625x128xbf16, #tpu.memory_space<vmem_shared>>
      tpu.wait_dma2 semaphore(%arg17 : memref<!tpu.dma_semaphore, #tpu.memory_space<semaphore_mem>>) src(%dma_wait3A_333 : memref<625x128xbf16, #tpu.memory_space<vmem_shared>>) dst(%dma_wait3A_331 : memref<625x128xbf16, #tpu.memory_space<hbm>>)
      %mul3A_334 = arith.constant 640 : i32
      %mul3A_335 = arith.muli %arg1, %mul3A_334 : i32
      %mul3A_336 = arith.constant 640 : i32
      %mul3A_337 = arith.muli %arg1, %mul3A_336 : i32
      %dma_wait3A_338 = arith.constant 0 : i32
      %dma_wait3A_339 = tpu.memref_slice %arg8[%mul3A_337, %dma_wait3A_338] : memref<10240x16xf32, #tpu.memory_space<hbm>> -> memref<640x16xf32, #tpu.memory_space<hbm>>
      %dma_wait3A_340 = arith.constant 0 : i32
      %dma_wait3A_341 = tpu.memref_slice %arg16[%mul3A_335, %dma_wait3A_340] : memref<10240x16xf32, #tpu.memory_space<vmem_shared>> -> memref<640x16xf32, #tpu.memory_space<vmem_shared>>
      tpu.wait_dma2 semaphore(%arg18 : memref<!tpu.dma_semaphore, #tpu.memory_space<semaphore_mem>>) src(%dma_wait3A_341 : memref<640x16xf32, #tpu.memory_space<vmem_shared>>) dst(%dma_wait3A_339 : memref<640x16xf32, #tpu.memory_space<hbm>>)
    } else {
    }
    %eq3A_305 = arith.constant 1 : i32
    %eq3A_306 = arith.cmpi eq, %arg0, %eq3A_305 : i32
    %convert_element_type3A_307 = arith.extui %eq3A_306 : i1 to i32
    %cond3A_308 = arith.constant 0 : i32
    %cond3A_309 = arith.cmpi ne, %convert_element_type3A_307, %cond3A_308 : i32
    scf.if %cond3A_309 {
      %mul3A_310 = arith.constant 625 : i32
      %mul3A_311 = arith.muli %arg1, %mul3A_310 : i32
      %mul3A_312 = arith.constant 625 : i32
      %mul3A_313 = arith.muli %arg1, %mul3A_312 : i32
      %dma_start3A_314 = arith.constant 0 : i32
      %dma_start3A_315 = tpu.memref_slice %arg7[%mul3A_313, %dma_start3A_314] : memref<10000x128xbf16, #tpu.memory_space<hbm>> -> memref<625x128xbf16, #tpu.memory_space<hbm>>
      %dma_start3A_316 = arith.constant 0 : i32
      %dma_start3A_317 = tpu.memref_slice %arg15[%mul3A_311, %dma_start3A_316] : memref<10000x128xbf16, #tpu.memory_space<vmem_shared>> -> memref<625x128xbf16, #tpu.memory_space<vmem_shared>>
      tpu.enqueue_dma source(%dma_start3A_317 : memref<625x128xbf16, #tpu.memory_space<vmem_shared>>) target(%dma_start3A_315 : memref<625x128xbf16, #tpu.memory_space<hbm>>) target_semaphore(%arg17 : memref<!tpu.dma_semaphore, #tpu.memory_space<semaphore_mem>>)
      %mul3A_318 = arith.constant 640 : i32
      %mul3A_319 = arith.muli %arg1, %mul3A_318 : i32
      %mul3A_320 = arith.constant 640 : i32
      %mul3A_321 = arith.muli %arg1, %mul3A_320 : i32
      %dma_start3A_322 = arith.constant 0 : i32
      %dma_start3A_323 = tpu.memref_slice %arg9[%mul3A_321, %dma_start3A_322] : memref<10240x16xf32, #tpu.memory_space<hbm>> -> memref<640x16xf32, #tpu.memory_space<hbm>>
      %dma_start3A_324 = arith.constant 0 : i32
      %dma_start3A_325 = tpu.memref_slice %arg16[%mul3A_319, %dma_start3A_324] : memref<10240x16xf32, #tpu.memory_space<vmem_shared>> -> memref<640x16xf32, #tpu.memory_space<vmem_shared>>
      tpu.enqueue_dma source(%dma_start3A_325 : memref<640x16xf32, #tpu.memory_space<vmem_shared>>) target(%dma_start3A_323 : memref<640x16xf32, #tpu.memory_space<hbm>>) target_semaphore(%arg18 : memref<!tpu.dma_semaphore, #tpu.memory_space<semaphore_mem>>)
      %mul3A_326 = arith.constant 625 : i32
      %mul3A_327 = arith.muli %arg1, %mul3A_326 : i32
      %mul3A_328 = arith.constant 625 : i32
      %mul3A_329 = arith.muli %arg1, %mul3A_328 : i32
      %dma_wait3A_330 = arith.constant 0 : i32
      %dma_wait3A_331 = tpu.memref_slice %arg7[%mul3A_329, %dma_wait3A_330] : memref<10000x128xbf16, #tpu.memory_space<hbm>> -> memref<625x128xbf16, #tpu.memory_space<hbm>>
      %dma_wait3A_332 = arith.constant 0 : i32
      %dma_wait3A_333 = tpu.memref_slice %arg15[%mul3A_327, %dma_wait3A_332] : memref<10000x128xbf16, #tpu.memory_space<vmem_shared>> -> memref<625x128xbf16, #tpu.memory_space<vmem_shared>>
      tpu.wait_dma2 semaphore(%arg17 : memref<!tpu.dma_semaphore, #tpu.memory_space<semaphore_mem>>) src(%dma_wait3A_333 : memref<625x128xbf16, #tpu.memory_space<vmem_shared>>) dst(%dma_wait3A_331 : memref<625x128xbf16, #tpu.memory_space<hbm>>)
      %mul3A_334 = arith.constant 640 : i32
      %mul3A_335 = arith.muli %arg1, %mul3A_334 : i32
      %mul3A_336 = arith.constant 640 : i32
      %mul3A_337 = arith.muli %arg1, %mul3A_336 : i32
      %dma_wait3A_338 = arith.constant 0 : i32
      %dma_wait3A_339 = tpu.memref_slice %arg9[%mul3A_337, %dma_wait3A_338] : memref<10240x16xf32, #tpu.memory_space<hbm>> -> memref<640x16xf32, #tpu.memory_space<hbm>>
      %dma_wait3A_340 = arith.constant 0 : i32
      %dma_wait3A_341 = tpu.memref_slice %arg16[%mul3A_335, %dma_wait3A_340] : memref<10240x16xf32, #tpu.memory_space<vmem_shared>> -> memref<640x16xf32, #tpu.memory_space<vmem_shared>>
      tpu.wait_dma2 semaphore(%arg18 : memref<!tpu.dma_semaphore, #tpu.memory_space<semaphore_mem>>) src(%dma_wait3A_341 : memref<640x16xf32, #tpu.memory_space<vmem_shared>>) dst(%dma_wait3A_339 : memref<640x16xf32, #tpu.memory_space<hbm>>)
    } else {
    }
    return
  }
}

module attributes {stable_mosaic.version = 14 : i64} {
  func.func @tc_kernel(%arg0: i32, %arg1: memref<2000x128xbf16, #tpu.memory_space<vmem>>, %arg2: memref<2000x128xbf16, #tpu.memory_space<vmem>>, %arg3: memref<2000x16xf32, #tpu.memory_space<vmem>>, %arg4: memref<2000x16xf32, #tpu.memory_space<vmem>>, %arg5: memref<2000x128xf32, #tpu.memory_space<vmem>>, %arg6: memref<128x128xf32, #tpu.memory_space<vmem>>, %arg7: memref<128x128xf32, #tpu.memory_space<vmem>>, %arg8: memref<1x128xf32, #tpu.memory_space<vmem>>, %arg9: memref<2000x128xf32, #tpu.memory_space<vmem>>) attributes {dimension_semantics = [#tpu.dimension_semantics<arbitrary>], iteration_bounds = array<i64: 5>, scalar_prefetch = 0 : i64, scratch_operands = 0 : i64, tpu.core_type = #tpu.core_type<tc>, window_params = [{transform_indices = @transform_0, window_bounds = array<i64: 2000, 128>}, {transform_indices = @transform_1, window_bounds = array<i64: 2000, 128>}, {transform_indices = @transform_2, window_bounds = array<i64: 2000, 16>}, {transform_indices = @transform_3, window_bounds = array<i64: 2000, 16>}, {transform_indices = @transform_4, window_bounds = array<i64: 2000, 128>}, {pipeline_mode = #tpu.pipeline_mode<synchronous>, transform_indices = @transform_5, window_bounds = array<i64: 128, 128>}, {pipeline_mode = #tpu.pipeline_mode<synchronous>, transform_indices = @transform_6, window_bounds = array<i64: 128, 128>}, {pipeline_mode = #tpu.pipeline_mode<synchronous>, transform_indices = @transform_7, window_bounds = array<i64: 1, 128>}, {transform_indices = @transform_8, window_bounds = array<i64: 2000, 128>}]} {
    %get3A = arith.constant 0 : index
    %get3A_0 = arith.constant 0 : index
    %get3A_1 = vector.load %arg3[%get3A, %get3A_0] : memref<2000x16xf32, #tpu.memory_space<vmem>>, vector<2000x1xf32>
    %get3A_2 = arith.constant 0 : index
    %get3A_3 = arith.constant 0 : index
    %get3A_4 = vector.load %arg4[%get3A_2, %get3A_3] : memref<2000x16xf32, #tpu.memory_space<vmem>>, vector<2000x1xf32>
    %add3A = arith.addf %get3A_1, %get3A_4 : vector<2000x1xf32>
    %get3A_5 = arith.constant 0 : index
    %get3A_6 = arith.constant 0 : index
    %get3A_7 = vector.load %arg1[%get3A_5, %get3A_6] : memref<2000x128xbf16, #tpu.memory_space<vmem>>, vector<2000x128xbf16>
    %convert_element_type3A = arith.extf %get3A_7 : vector<2000x128xbf16> to vector<2000x128xf32>
    %get3A_8 = arith.constant 0 : index
    %get3A_9 = arith.constant 0 : index
    %get3A_10 = vector.load %arg2[%get3A_8, %get3A_9] : memref<2000x128xbf16, #tpu.memory_space<vmem>>, vector<2000x128xbf16>
    %convert_element_type3A_11 = arith.extf %get3A_10 : vector<2000x128xbf16> to vector<2000x128xf32>
    %add3A_12 = arith.addf %convert_element_type3A, %convert_element_type3A_11 : vector<2000x128xf32>
    %max3A = arith.constant 1.000000e+00 : f32
    %max3A_13 = vector.broadcast %max3A : f32 to vector<2000x1xf32>
    %max3A_14 = arith.maximumf %add3A, %max3A_13 : vector<2000x1xf32>
    %div3A = arith.constant 1.000000e+00 : f32
    %div3A_15 = vector.broadcast %div3A : f32 to vector<2000x1xf32>
    %div3A_16 = arith.divf %div3A_15, %max3A_14 : vector<2000x1xf32>
    %mul3A = vector.broadcast %div3A_16 : vector<2000x1xf32> to vector<2000x128xf32>
    %mul3A_17 = arith.mulf %add3A_12, %mul3A : vector<2000x128xf32>
    %get3A_18 = arith.constant 0 : index
    %get3A_19 = arith.constant 0 : index
    %get3A_20 = vector.load %arg6[%get3A_18, %get3A_19] : memref<128x128xf32, #tpu.memory_space<vmem>>, vector<128x128xf32>
    %dot_general3A = arith.constant dense<0.000000e+00> : vector<2000x128xf32>
    %dot_general3A_21 = tpu.matmul %mul3A_17, %get3A_20, %dot_general3A {dimension_numbers = #tpu.dot_dimension_numbers<[1], [0], [0], [1], [0, 0, 1, 1], [], []>, transpose_lhs_hint = false} : vector<2000x128xf32>, vector<128x128xf32>, vector<2000x128xf32> -> vector<2000x128xf32>
    %get3A_22 = arith.constant 0 : index
    %get3A_23 = arith.constant 0 : index
    %get3A_24 = vector.load %arg5[%get3A_22, %get3A_23] : memref<2000x128xf32, #tpu.memory_space<vmem>>, vector<2000x128xf32>
    %get3A_25 = arith.constant 0 : index
    %get3A_26 = arith.constant 0 : index
    %get3A_27 = vector.load %arg7[%get3A_25, %get3A_26] : memref<128x128xf32, #tpu.memory_space<vmem>>, vector<128x128xf32>
    %dot_general3A_28 = arith.constant dense<0.000000e+00> : vector<2000x128xf32>
    %dot_general3A_29 = tpu.matmul %get3A_24, %get3A_27, %dot_general3A_28 {dimension_numbers = #tpu.dot_dimension_numbers<[1], [0], [0], [1], [0, 0, 1, 1], [], []>, transpose_lhs_hint = false} : vector<2000x128xf32>, vector<128x128xf32>, vector<2000x128xf32> -> vector<2000x128xf32>
    %add3A_30 = arith.addf %dot_general3A_21, %dot_general3A_29 : vector<2000x128xf32>
    %get3A_31 = arith.constant 0 : index
    %get3A_32 = arith.constant 0 : index
    %get3A_33 = vector.load %arg8[%get3A_31, %get3A_32] : memref<1x128xf32, #tpu.memory_space<vmem>>, vector<1x128xf32>
    %add3A_34 = vector.broadcast %get3A_33 : vector<1x128xf32> to vector<2000x128xf32>
    %add3A_35 = arith.addf %add3A_30, %add3A_34 : vector<2000x128xf32>
    %max3A_36 = arith.constant 0.000000e+00 : f32
    %max3A_37 = vector.broadcast %max3A_36 : f32 to vector<2000x128xf32>
    %max3A_38 = arith.maximumf %add3A_35, %max3A_37 : vector<2000x128xf32>
    %swap3A = arith.constant 0 : index
    %swap3A_39 = arith.constant 0 : index
    %swap3A_40 = vector.load %arg9[%swap3A, %swap3A_39] : memref<2000x128xf32, #tpu.memory_space<vmem>>, vector<2000x128xf32>
    tpu.vector_store %arg9[%swap3A, %swap3A_39], %max3A_38 {strides = array<i32>} : memref<2000x128xf32, #tpu.memory_space<vmem>>, vector<2000x128xf32>,
    return
  }
  func.func @transform_0(%arg0: i32) -> (i32, i32) {
    %c0_i32 = arith.constant 0 : i32
    %c0_i32_0 = arith.constant 0 : i32
    return %arg0, %c0_i32 : i32, i32
  }
  func.func @transform_1(%arg0: i32) -> (i32, i32) {
    %c0_i32 = arith.constant 0 : i32
    %c0_i32_0 = arith.constant 0 : i32
    return %arg0, %c0_i32 : i32, i32
  }
  func.func @transform_2(%arg0: i32) -> (i32, i32) {
    %c0_i32 = arith.constant 0 : i32
    %c0_i32_0 = arith.constant 0 : i32
    return %arg0, %c0_i32 : i32, i32
  }
  func.func @transform_3(%arg0: i32) -> (i32, i32) {
    %c0_i32 = arith.constant 0 : i32
    %c0_i32_0 = arith.constant 0 : i32
    return %arg0, %c0_i32 : i32, i32
  }
  func.func @transform_4(%arg0: i32) -> (i32, i32) {
    %c0_i32 = arith.constant 0 : i32
    %c0_i32_0 = arith.constant 0 : i32
    return %arg0, %c0_i32 : i32, i32
  }
  func.func @transform_5(%arg0: i32) -> (i32, i32) {
    %c0_i32 = arith.constant 0 : i32
    %c0_i32_0 = arith.constant 0 : i32
    %c0_i32_1 = arith.constant 0 : i32
    return %c0_i32, %c0_i32_0 : i32, i32
  }
  func.func @transform_6(%arg0: i32) -> (i32, i32) {
    %c0_i32 = arith.constant 0 : i32
    %c0_i32_0 = arith.constant 0 : i32
    %c0_i32_1 = arith.constant 0 : i32
    return %c0_i32, %c0_i32_0 : i32, i32
  }
  func.func @transform_7(%arg0: i32) -> (i32, i32) {
    %c0_i32 = arith.constant 0 : i32
    %c0_i32_0 = arith.constant 0 : i32
    %c0_i32_1 = arith.constant 0 : i32
    return %c0_i32, %c0_i32_0 : i32, i32
  }
  func.func @transform_8(%arg0: i32) -> (i32, i32) {
    %c0_i32 = arith.constant 0 : i32
    %c0_i32_0 = arith.constant 0 : i32
    return %arg0, %c0_i32 : i32, i32
  }
}

</mosaic_0001>

<sc_bundles>
// kernel: kernel.4.cloned.1.call-start
scs
__scs_entry_jumppad:
0x0: {  	(pc) =	sbr.rel $0x88, $3  }
0x1: {  	(tag) =	ssettag $0x0;
	lr =	simm.s32 $0x1  }
0x2: {  	[smem:$0x3F9C] =	sst lr;
	_ =	strace $0xD0000000  }
0x3: {  	_ = 	snop  }
0x4: {  	_ = 	snop  }
0x5: {  	_ = 	snop  }
0x6: {  	_ = 	snop  }
0x7: {  	_ = 	snop  }
__scs_overlays_trampoline_lowered:
0x8: {  	[smem:$0x3FAB] =	sst s0  }
0x9: {  	[smem:$0x3FAC] =	sst s1  }
0xa: {  	[smem:$0x3FAD] =	sst s2  }
0xb: {  	[smem:$0x3FAE] =	sst s3  }
0xc: {  	[smem:$0x3FAF] =	sst s4  }
0xd: {  	[smem:$0x3FB0] =	sst s5  }
0xe: {  	[smem:$0x3FB1] =	sst s6  }
0xf: {  	[smem:$0x3FB2] =	sst s7  }
0x10: {  	[smem:$0x3FB3] =	sst s8  }
0x11: {  	[smem:$0x3FB4] =	sst s9;
	s0 =	simm.s32 @!p0 $0x0  }
0x12: {  	s1 =	sld [smem:$0x3F9A];
	s0 =	simm.s32 @p0 $0x1  }
0x13: {  	[smem:$0x3FB5] =	sst s0;
	s0 =	simm.s32 @!p1 $0x0  }
0x14: {  	s2 =	sld [smem:$0x3F99];
	s0 =	simm.s32 @p1 $0x1  }
0x15: {  	[smem:$0x3FB6] =	sst s0;
	s0 =	simm.s32 @!p2 $0x0  }
0x16: {  	s3 =	sld [smem:$0x3FDB];
	s0 =	simm.s32 @p2 $0x1  }
0x17: {  	s4 =	simm.s32 $0x1BF5;
	[smem:$0x3FB8] =	sst s0  }
0x18: {  	s0 =	sld [smem:$0x3F9B];
	_ =	swait.ge [sflag:s4], $0x0  }
0x19: {  	s7 =	sld [smem:$0x3F9C]  }
0x1a: {  	s8 =	sadd.s32 $0xFFFFE003, lr  }
0x1b: {  	s9 =	sadd.s32 $0xFFFFFEF7, lr;
	s5 =	simm.s32 $0xFFFFFFFF;
	p2 =	slt.u32 s8, $0xFFFFF086  }
0x1c: {  	p1 =	slt.u32 s9, $0xF7A;
	s5 =	simm.s32 @!p2 $0x0  }
0x1d: {  	s5 =	simm.s32 @p1 $0x1;
	p0 =	seq.s32 s7, s2  }
0x1e: {  	s7 =	smul.u32 @!p0 $0xF7A, s2;
	p2 =	seq.s32 @!p0 s5, $0x0  }
0x1f: {  	s9 =	smul.u32 $0xF7A, s1;
	s8 =	simm.s32 @!p0 $0x1BF5;
	p2 =	por !p2, p0  }
0x20: {  	[sflag:s8] =	ssyncset.s32 @!p0 $0xFFFFF086;
	s6 =	sadd.s32 @!p0 s3, s7;
	s7 =	simm.s32 @!p0 $0x108  }
0x21: {  	s3 =	sadd.s32 s3, s9;
	s6 =	sadd.s32 @!p0 $0x88, s6;
	s7 =	simm.s32 @p2 $0x1082  }
0x22: {  	[simem:s7], [sflag:s8] =	dma.local @!p0 [hbm:s6], $0xF7A  }
0x23: {  	s9 =	sor.u32 $0xD0000000, s2;
	s6 =	simm.s32 $0x108;
	_ =	swait.ge @!p0 [sflag:s8], $0x0  }
0x24: {  	s3 =	sadd.s32 $0x88, s3;
	s6 =	simm.s32 @!p1 $0x1082;
	[sflag:s4] =	ssyncset.s32 $0xFFFFF086  }
0x25: {  	[simem:s6], [sflag:s4] =	dma.local [hbm:s3], $0xF7A  }
0x26: {  	[smem:$0x3F9C] =	sst s1;
	(tag) =	ssettag s2;
	_ =	strace s9  }
0x27: {  	s1 =	sld [smem:$0x3FAC]  }
0x28: {  	s2 =	sld [smem:$0x3FAD]  }
0x29: {  	s4 =	sld [smem:$0x3FAF]  }
0x2a: {  	p0 =	seq.s32 s5, $0x0;
	s5 =	sld [smem:$0x3FB0]  }
0x2b: {  	s6 =	sld [smem:$0x3FB1]  }
0x2c: {  	s7 =	sld [smem:$0x3FB2]  }
0x2d: {  	s3 =	simm.s32 $0x108;
	s8 =	sld [smem:$0x3FB3]  }
0x2e: {  	s3 =	simm.s32 @!p0 $0x1082;
	s9 =	sld [smem:$0x3FB4]  }
0x2f: {  	lr =	sadd.s32 s0, s3;
	s0 =	sld [smem:$0x3FAB]  }
0x30: {  	s3 =	sld [smem:$0x3FAE]  }
0x31: {  	[smem:$0x3FB7] =	sst s10  }
0x32: {  	s10 =	sld [smem:$0x3FB5];
	_ =	sdelay $0x3  }
0x33: {  	p0 =	seq.s32 s10, $0x1;
	s10 =	sld [smem:$0x3FB7];
	_ =	sdelay $0x3  }
0x34: {  	[smem:$0x3FB7] =	sst s10  }
0x35: {  	s10 =	sld [smem:$0x3FB6];
	_ =	sdelay $0x3  }
0x36: {  	p1 =	seq.s32 s10, $0x1;
	s10 =	sld [smem:$0x3FB7];
	_ =	sdelay $0x3  }
0x37: {  	[smem:$0x3FB7] =	sst s10  }
0x38: {  	s10 =	sld [smem:$0x3FB8]  }
0x39: {  	_ = 	snop;
	(pc) =	sbr.ind lr, $3  }
0x3a: {  	_ = 	snop  }
0x3b: {  	_ = 	snop  }
0x3c: {  	p2 =	seq.s32 s10, $0x1;
	s10 =	sld [smem:$0x3FB7]  }
0x3d: {  	_ =	shalt  }
0x3e: {  	_ =	shalt  }
0x3f: {  	_ =	shalt  }
0x40: {  	_ =	shalt  }
0x41: {  	_ =	shalt  }
0x42: {  	_ =	shalt  }
0x43: {  	_ =	shalt  }
0x44: {  	_ =	shalt  }
0x45: {  	_ =	shalt  }
0x46: {  	_ =	shalt  }
0x47: {  	_ =	shalt  }
0x48: {  	_ =	shalt  }
0x49: {  	_ =	shalt  }
0x4a: {  	_ =	shalt  }
0x4b: {  	_ =	shalt  }
0x4c: {  	_ =	shalt  }
0x4d: {  	_ =	shalt  }
0x4e: {  	_ =	shalt  }
0x4f: {  	_ =	shalt  }
0x50: {  	_ =	shalt  }
0x51: {  	_ =	shalt  }
0x52: {  	_ =	shalt  }
0x53: {  	_ =	shalt  }
0x54: {  	_ =	shalt  }
0x55: {  	_ =	shalt  }
0x56: {  	_ =	shalt  }
0x57: {  	_ =	shalt  }
0x58: {  	_ =	shalt  }
0x59: {  	_ =	shalt  }
0x5a: {  	_ =	shalt  }
0x5b: {  	_ =	shalt  }
0x5c: {  	_ =	shalt  }
0x5d: {  	_ =	shalt  }
0x5e: {  	_ =	shalt  }
0x5f: {  	_ =	shalt  }
0x60: {  	_ =	shalt  }
0x61: {  	_ =	shalt  }
0x62: {  	_ =	shalt  }
0x63: {  	_ =	shalt  }
0x64: {  	_ =	shalt  }
0x65: {  	_ =	shalt  }
0x66: {  	_ =	shalt  }
0x67: {  	_ =	shalt  }
0x68: {  	_ =	shalt  }
0x69: {  	_ =	shalt  }
0x6a: {  	_ =	shalt  }
0x6b: {  	_ =	shalt  }
0x6c: {  	_ =	shalt  }
0x6d: {  	_ =	shalt  }
0x6e: {  	_ =	shalt  }
0x6f: {  	_ =	shalt  }
0x70: {  	_ =	shalt  }
0x71: {  	_ =	shalt  }
0x72: {  	_ =	shalt  }
0x73: {  	_ =	shalt  }
0x74: {  	_ =	shalt  }
0x75: {  	_ =	shalt  }
0x76: {  	_ =	shalt  }
0x77: {  	_ =	shalt  }
0x78: {  	_ =	shalt  }
0x79: {  	_ =	shalt  }
0x7a: {  	_ =	shalt  }
0x7b: {  	_ =	shalt  }
0x7c: {  	_ =	shalt  }
0x7d: {  	_ =	shalt  }
0x7e: {  	_ =	shalt  }
0x7f: {  	_ =	shalt  }
0x80: {  	_ =	shalt  }
0x81: {  	_ =	shalt  }
0x82: {  	_ =	shalt  }
0x83: {  	_ =	shalt  }
0x84: {  	_ =	shalt  }
0x85: {  	_ =	shalt  }
0x86: {  	_ =	shalt  }
0x87: {  	_ =	shalt  }
.Lfunc_end0:
.L_simem_size_0:
called_computation_lowered:
.L_overlay_start_0:
0x88: {  	s2 =	sld [smem:$0x3FD9]  }
0x89: {  	s3 =	sld [smem:$0x3FFE];
	_ =	sdelay $0x1  }
0x8a: {  	s1 =	srdreg.scid  }
0x8b: {  	s0 =	sand.u32 $0x1, s1  }
0x8c: {  	s17 =	sshll.u32 s0, $0xA;
	s2 =	sadd.s32 s3, s2  }
0x8d: {  	s2 =	sadd.s32 s2, s17  }
0x8e: {  	[smem:$0x3FC3] =	sst s2  }
0x8f: {  	_ = 	snop  }
0x90: {  	s2 =	sld [smem:$0x3FD0];
	(tm) =	ssettm $0x1  }
0x91: {  	s18 =	sld [smem:$0x3FFB];
	_ =	sdelay $0x3  }
0x92: {  	_ =	strace s18  }
0x93: {  	s3 =	sld [smem:$0x3FFC];
	_ =	sdelay $0x3  }
0x94: {  	_ =	strace s3  }
0x95: {  	s3 =	sld [smem:$0x3FFD];
	_ =	sdelay $0x3  }
0x96: {  	_ =	strace s3  }
0x97: {  	_ =	strace $0x8FFFFFFF  }
0x98: {  	s19 =	sld [smem:$0x3FDB];
	_ =	sdelay $0x1  }
0x99: {  	s4 =	simm.s32 $_scs_section_size  }
0x9a: {  	s5 =	simm.s32 $_size__tile_overlayer_lowered;
	s6 =	simm.s32 $_tile_overlayer_lowered  }
0x9b: {  	s22 =	simm.s32 $0x1BFF;
	s21 =	sshll.u32 s6, $0x1;
	s3 =	sadd.s32 s4, s19  }
0x9c: {  	s7 =	simm.s32 $0x0;
	s20 =	sshll.u32 s5, $0x1;
	s5 =	sadd.s32 s21, s3  }
0x9d: {  	[timem:s7], [sflag:s22] =	dma.local [hbm:s5], s20  }
0x9e: {  	_ =	swait.ge [sflag:s22], s20  }
0x9f: {  	s4 =	ssub.s32 $0x0, s20;
	[sflag:s22] =	ssyncset.done $0x0  }
0xa0: {  	[sflag:s22] =	ssyncadd.s32 s4;
	_ =	sdelay $0x1  }
0xa1: {  	s23 =	simm.s32 $0x1B8B  }
0xa2: {  	_ =	swait.ge [sflag:s23], $0x1  }
0xa3: {  	[sflag:s23] =	ssyncset.done $0x0  }
0xa4: {  	s25 =	simm.s32 $0x1B8E;
	s24 =	sld [smem:$0x3FFE];
	[sflag:s23] =	ssyncadd.s32 $0xFFFFFFFF  }
0xa5: {  	s26 =	simm.s32 $execute0_lowered;
	[smem:$0x3FD2] =	sst s25  }
0xa6: {  	s5 =	sshll.u32 s26, $0x1;
	_ =	strace $0x80000046;
	[dreg:$0x1] =	wrdreg $0xFFFFFFFF  }
0xa7: {  	s28 =	simm.s32 $_size_execute0_lowered;
	s3 =	sadd.s32 s3, s5;
	[dreg:$0x0] =	wrdreg $0x0  }
0xa8: {  	s5 =	sshll.u32 s28, $0x1;
	[dreg:$0x2] =	wrdreg s3  }
0xa9: {  	[dreg:$0x3] =	wrdreg s5  }
0xaa: {  	[dreg:$0x4] =	wrdreg $0xC0  }
0xab: {  	_ =	task [dreg:s7], $0x5FFFF  }
0xac: {  	[dreg:$0x1] =	wrdreg $0xFFFFFFFF  }
0xad: {  	[dreg:$0x0] =	wrdreg $0x60  }
0xae: {  	[dreg:$0x2] =	wrdreg s24  }
0xaf: {  	[dreg:$0x3] =	wrdreg s2  }
0xb0: {  	[dreg:$0x4] =	wrdreg $0x4A500  }
0xb1: {  	[dreg:$0x5] =	wrdreg $0xE6900  }
0xb2: {  	[dreg:$0x6] =	wrdreg $0x9  }
0xb3: {  	_ =	task.clear_ibuf [dreg:s7], $0x7FFFF;
	_ =	strace $0x90000046  }
0xb4: {  	s29 =	simm.s32 $0x9;
	_ =	strace $0x80000048  }
0xb5: {  	_ =	swait.ge [sflag:s29], $0x1  }
0xb6: {  	[sflag:s29] =	ssyncadd.s32 $0xFFFFFFFF  }
0xb7: {  	_ =	strace $0x90000048  }
0xb8: {  	_ =	sfence  }
0xb9: {  	s30 =	sld [smem:$0x0];
	_ =	sdelay $0x2  }
0xba: {  	s31 =	sshll.u32 s1, $0xD;
	s1 =	sshrl.u32 s1, $0x2  }
0xbb: {  	s3 =	sand.u32 $0x4000, s31;
	s1 =	sadd.s32 s1, s30  }
0xbc: {  	s0 =	sor.u32 s3, s0;
	s1 =	sshll.u32 s1, $0x11  }
0xbd: {  	s0 =	sor.u32 s1, s0  }
0xbe: {  	s0 =	sadd.s32 $0x8F2B, s0  }
0xbf: {  	[sflag:s0] =	ssyncadd.remote.s32 $0x1  }
0xc0: {  	_ =	sfence.sel $0xFFFF  }
0xc1: {  	[dreg:$0x0] =	wrdreg $0xFFFFFFFF;
	(pc) =	sbr.abs _section_cstart, $3  }
0xc2: {  	[dreg:$0x1] =	wrdreg $0xFFFFFFFF  }
0xc3: {  	_ =	task.clear_ibuf [dreg:s7], $0x2FFFF;
	_ =	strace $0x9FFFFFFF  }
0xc4: {  	(tm) =	ssettm $0x7FFFFFFF  }
0xc5: {  	_ =	shalt  }
tec
execute0_lowered:
.L_overlay_start_1:
0x0: {  	(tag) =	ssettag $0x1  }
0x1: {  	s6 =	rddreg [dreg:$0x0]  }
0x2: {  	s0 =	rddreg [dreg:$0x1]  }
0x3: {  	s2 =	rddreg [dreg:$0x2]  }
0x4: {  	s3 =	rddreg [dreg:$0x3]  }
0x5: {  	s17 =	stileid.u32;
	s4 =	simm.s32 $0x0;
	s9 =	srdreg.scid  }
0x6: {  	s28 =	simm.s32 $0x400;
	s29 =	simm.s32 $0x2340;
	s30 =	simm.s32 $0x3  }
0x7: {  	s31 =	simm.s32 $0x2;
	s1 =	smul.u32 $0x2800, s17;
	[smem:$0x7FF] =	sst s4  }
0x8: {  	s5 =	sadd.s32 $0x1E00, s6;
	s10 =	sadd.s32 $0x15800, s6;
	s9 =	sand.u32 $0x1, s9  }
0x9: {  	s14 =	sshll.u32 s17, $0x1;
	s11 =	sadd.s32 $0x1AA00, s6;
	s16 =	smul.u32 $0x27100, s17  }
0xa: {  	s12 =	sadd.s32 $0x2E400, s6;
	s13 =	sadd.s32 $0x41E00, s6;
	s18 =	smul.u32 $0x5000, s17  }
0xb: {  	_ =	strace $0x80000047;
	[dreg:$0x5] =	wrdreg s10;
	s10 =	sor.u32 s9, s14  }
0xc: {  	s14 =	ssub.s32 $0x2, s9;
	s20 =	smul.u32 $0x2800, s9;
	p0 =	seq.s32 s9, $0x1  }
0xd: {  	s7 =	sshrl.u32 s1, $0x3;
	s10 =	smul.u32 $0x2800, s10;
	s15 =	sshrl.u32 s14, $0x1  }
0xe: {  	s16 =	sshrl.u32 s16, $0x2;
	s11 =	smov.u32 @p0 s12;
	s8 =	sadd.s32 s7, s6  }
0xf: {  	s6 =	sadd.s32 $0x46E00, s6;
	s21 =	ssub.s32 s14, s15;
	s15 =	smul.u32 $0x13880, s17  }
0x10: {  	s25 =	sadd.s32 s20, s18;
	s10 =	sshrl.u32 s10, $0x3;
	s13 =	smov.u32 @p0 s6  }
0x11: {  	s17 =	sadd.s32 $0x50300, s25;
	s18 =	sor.u32 $0x300, s25;
	s22 =	sadd.s32 s0, s10  }
0x12: {  	s19 =	sshrl.u32 s15, $0x1;
	s10 =	sadd.s32 s16, s2;
	s7 =	sadd.s32 s13, s7  }
0x13: {  	s24 =	sshrl.u32 s15, $0x4;
	s15 =	sor.u32 $0x380, s25;
	[dreg:$0xb] =	wrdreg s7  }
0x14: {  	s16 =	sadd.s32 s19, s2;
	s23 =	sadd.s32 $0x1F40, s10;
	[dreg:$0x6] =	wrdreg s22  }
0x15: {  	s26 =	sadd.s32 $0x3E80, s10;
	s9 =	sadd.s32 s11, s24;
	[dreg:$0x7] =	wrdreg s16  }
0x16: {  	s11 =	sadd.s32 $0x50380, s25;
	s7 =	sshrl.u32 s18, $0x3;
	[dreg:$0x8] =	wrdreg s23  }
0x17: {  	s19 =	sadd.s32 $0x50280, s25;
	s24 =	sadd.s32 $0x50200, s25;
	[dreg:$0x9] =	wrdreg s26  }
0x18: {  	s12 =	sadd.s32 $0xA000, s22;
	s13 =	sadd.s32 $0x10, s22;
	[dreg:$0xa] =	wrdreg s9  }
0x19: {  	s14 =	sshrl.u32 s11, $0x3;
	s16 =	sshrl.u32 s15, $0x3;
	s20 =	sshrl.u32 s19, $0x3  }
0x1a: {  	s23 =	sor.u32 $0x280, s25;
	s25 =	sor.u32 $0x200, s25;
	[dreg:$0x12] =	wrdreg s12  }
0x1b: {  	s9 =	sadd.s32 s1, s3;
	s11 =	smax.u32 s21, $0x1;
	[dreg:$0x13] =	wrdreg s13  }
0x1c: {  	s21 =	sadd.s32 $0xA010, s22;
	s12 =	simm.s32 $0x280;
	s1 =	simm.s32 $0x1  }
0x1d: {  	s13 =	simm.s32 $0x0;
	s6 =	sadd.s32 s14, s0;
	[dreg:$0xf] =	wrdreg s9  }
0x1e: {  	s14 =	sadd.s32 s16, s0;
	s16 =	sadd.s32 s7, s0;
	[dreg:$0x11] =	wrdreg s11  }
0x1f: {  	s7 =	sshrl.u32 s24, $0x3;
	s26 =	sshrl.u32 s25, $0x3;
	[dreg:$0x14] =	wrdreg s21  }
0x20: {  	s24 =	sadd.s32 $0xA020, s22;
	s25 =	sadd.s32 $0x30, s22;
	s9 =	simm.s32 $0x8  }
0x21: {  	[dreg:$0xc] =	wrdreg s6;
	s6 =	sshrl.u32 s17, $0x3;
	s17 =	sadd.s32 s20, s0  }
0x22: {  	s19 =	sadd.s32 s7, s0;
	s20 =	sadd.s32 s26, s0;
	[dreg:$0x16] =	wrdreg s24  }
0x23: {  	s7 =	sadd.s32 $0x7D00, s10;
	[dreg:$0x17] =	wrdreg s25;
	s26 =	sadd.s32 $0xA030, s22  }
0x24: {  	s24 =	simm.s32 $0x380;
	s15 =	sadd.s32 s6, s0;
	[dreg:$0xe] =	wrdreg s7  }
0x25: {  	s6 =	sshrl.u32 s23, $0x3;
	s23 =	sadd.s32 $0x20, s22;
	[dreg:$0x18] =	wrdreg s26  }
.Ltmp0:
0x26: {  	s22 =	simm.s32 $0x300;
	s26 =	simm.s32 $0x7D;
	(pc) =	sbr.rel .LBB2_1-.Ltmp0, $4  }
0x27: {  	s7 =	simm.s32 $0x6;
	s18 =	sadd.s32 s6, s0;
	s6 =	sadd.s32 $0x5DC0, s10  }
0x28: {  	s10 =	sadd.s32 $0x15A00, s8;
	[dreg:$0x15] =	wrdreg s23;
	s23 =	simm.s32 $0x180  }
0x29: {  	s0 =	simm.s32 $0x5;
	s8 =	simm.s32 $0x7;
	[dreg:$0xd] =	wrdreg s6  }
0x2a: {  	v0 =	vimm.bf16 $0.0e+00;
	[dreg:$0x10] =	wrdreg s10;
	s6 =	simm.s32 $0x4280;
	s10 =	simm.s32 $0x200  }
.LBB2_6:
0x2b: {  	[bflag:$0x0] =	sbarrier.arrive $0xFFFF  }
0x2c: {  	s11 =	rddreg [dreg:$0x1c]  }
0x2d: {  	s13 =	rddreg [dreg:$0x7]  }
0x2e: {  	s21 =	rddreg [dreg:$0xa];
	s11 =	sor.u32 $0x1C01, s11;
	s13 =	sshrl.u32 s13, $0x3  }
0x2f: {  	[hbm:s21], [sflag:s11] =	dma.local [spmem:s13], $0x1388  }
0x30: {  	s11 =	rddreg [dreg:$0xb]  }
0x31: {  	s13 =	rddreg [dreg:$0x1a]  }
0x32: {  	s21 =	rddreg [dreg:$0x1b]  }
0x33: {  	[hbm:s11], [sflag:s13] =	dma.local [spmem:s21], $0x500  }
0x34: {  	_ =	swait.ge [sflag:s1], $0x1388  }
0x35: {  	[sflag:s1] =	ssyncset.done $0x0  }
0x36: {  	[sflag:s1] =	ssyncadd.s32 $0xFFFFEC78  }
0x37: {  	_ =	swait.ge [sflag:s31], $0x500  }
0x38: {  	s21 =	rddreg [dreg:$0x19]  }
0x39: {  	s25 =	rddreg [dreg:$0x11];
	s13 =	sadd.s32 $0x1, s21  }
0x3a: {  	p0 =	sne.s32 s13, s25  }
.Ltmp1:
0x3b: {  	_ = 	snop;
	(pc) =	sbr.rel @!p0 .LBB2_7-.Ltmp1, $3  }
0x3c: {  	_ =	sdelay $0x1  }
0x3d: {  	[sflag:s31] =	ssyncset.done $0x0  }
0x3e: {  	[sflag:s31] =	ssyncadd.s32 $0xFFFFFB00  }
.LBB2_1:
0x3f: {  	[dreg:$0x19] =	wrdreg s13  }
0x40: {  	s11 =	rddreg [dreg:$0x5]  }
0x41: {  	[tilespmem:s6], [sflag:$0x8] =	stream.linear.gather [hbm4b:s11+s4], $0x7D0, $0x38;
	[tilespmem:$0x10E90] =	vst v63  }
0x42: {  	_ =	swait.ge [sflag:s9], $0x7D0  }
0x43: {  	[sflag:s9] =	ssyncset.done $0x0  }
0x44: {  	s21 =	rddreg [dreg:$0x6];
	[sflag:s9] =	ssyncadd.s32 $0xFFFFF830  }
0x45: {  	[tilespmem:s4], [sflag:$0x4] =	stream.linear.gather [hbm4b:s21+s4], $0x80, $0x38;
	[tilespmem:$0x10E90] =	vst v63  }
0x46: {  	s25 =	rddreg [dreg:$0x12]  }
0x47: {  	[tilespmem:s10], [sflag:$0x4] =	stream.linear.gather [hbm4b:s25+s4], $0x80, $0x38;
	[tilespmem:$0x10E90] =	vst v63  }
0x48: {  	s13 =	rddreg [dreg:$0x13];
	s21 =	simm.s32 $0x80  }
0x49: {  	[tilespmem:s21], [sflag:$0x5] =	stream.linear.gather [hbm4b:s13+s4], $0x80, $0x38;
	[tilespmem:$0x10E90] =	vst v63  }
0x4a: {  	s25 =	rddreg [dreg:$0x14]  }
0x4b: {  	[tilespmem:s12], [sflag:$0x5] =	stream.linear.gather [hbm4b:s25+s4], $0x80, $0x38;
	[tilespmem:$0x10E90] =	vst v63  }
0x4c: {  	s13 =	rddreg [dreg:$0x15];
	s21 =	simm.s32 $0x100  }
0x4d: {  	[tilespmem:s21], [sflag:$0x6] =	stream.linear.gather [hbm4b:s13+s4], $0x80, $0x38;
	[tilespmem:$0x10E90] =	vst v63  }
0x4e: {  	s25 =	rddreg [dreg:$0x16]  }
0x4f: {  	[tilespmem:s22], [sflag:$0x6] =	stream.linear.gather [hbm4b:s25+s4], $0x80, $0x38;
	[tilespmem:$0x10E90] =	vst v63  }
0x50: {  	s13 =	rddreg [dreg:$0x17]  }
0x51: {  	[tilespmem:s23], [sflag:$0x7] =	stream.linear.gather [hbm4b:s13+s4], $0x80, $0x38;
	[tilespmem:$0x10E90] =	vst v63  }
0x52: {  	s21 =	rddreg [dreg:$0x18];
	s25 =	simm.s32 $0x4  }
0x53: {  	[tilespmem:s24], [sflag:$0x7] =	stream.linear.gather [hbm4b:s21+s4], $0x80, $0x38;
	[tilespmem:$0x10E90] =	vst v63  }
0x54: {  	_ =	swait.ge [sflag:s25], $0x80  }
0x55: {  	[sflag:s25] =	ssyncset.done $0x0  }
0x56: {  	[sflag:s25] =	ssyncadd.s32 $0xFFFFFF80  }
0x57: {  	_ =	swait.ge [sflag:s25], $0x80  }
0x58: {  	[sflag:s25] =	ssyncset.done $0x0  }
0x59: {  	s11 =	simm.s32 $0x100;
	[sflag:s25] =	ssyncadd.s32 $0xFFFFFF80;
	s25 =	simm.s32 $0x0  }
0x5a: {  	[tilespmem:s28], [sflag:$0x1] =	stream.indirect.gather [hbm4b:s5+s26], $0x40, s4, s26, $0xb8;
	[tilespmem:$0x10E90] =	vst v63  }
.LBB2_2:
0x5b: {  	p0 =	sne.s32 s11, $0x7C00;
	[tilespmem:s25+$0x2370] =	vst v0;
	s21 =	smov.u32 s11;
	s11 =	sadd.s32 $0x100, s11  }
.Ltmp2:
0x5c: {  	[tilespmem:s25+$0x2360] =	vst v0;
	(pc) =	sbr.rel @p0 .LBB2_2-.Ltmp2, $3  }
0x5d: {  	[tilespmem:s25+$0x2340] =	vst v0  }
0x5e: {  	[tilespmem:s25+$0x2350] =	vst v0;
	_ =	sdelay $0x1  }
0x5f: {  	s25 =	sshra.s32 s21, $0x2  }
0x60: {  	[tilespmem:s25+$0x2370] =	vst v0  }
0x61: {  	[tilespmem:s25+$0x2360] =	vst v0  }
0x62: {  	[tilespmem:s25+$0x2340] =	vst v0  }
0x63: {  	[tilespmem:s25+$0x2350] =	vst v0;
	s11 =	rddreg [dreg:$0x7]  }
0x64: {  	[spmem:s11] =	stream.linear.scatter [tilespmem:s29], [sflag:$0x3], $0x1F40, $0x38;
	[tilespmem:$0x10E90] =	vst v63  }
0x65: {  	s25 =	rddreg [dreg:$0x8]  }
0x66: {  	[spmem:s25] =	stream.linear.scatter [tilespmem:s29], [sflag:$0x3], $0x1F40, $0x38;
	[tilespmem:$0x10E90] =	vst v63  }
0x67: {  	s13 =	rddreg [dreg:$0x9]  }
0x68: {  	[spmem:s13] =	stream.linear.scatter [tilespmem:s29], [sflag:$0x3], $0x1F40, $0x38;
	[tilespmem:$0x10E90] =	vst v63  }
0x69: {  	s21 =	rddreg [dreg:$0xd];
	s13 =	stileid.u32  }
0x6a: {  	s25 =	rddreg [dreg:$0xe];
	s11 =	sshll.u32 s13, $0x6  }
0x6b: {  	[spmem:s21] =	stream.linear.scatter [tilespmem:s29], [sflag:$0x3], $0x1F40, $0x38;
	[tilespmem:$0x10E90] =	vst v63  }
0x6c: {  	[dreg:$0x1c] =	wrdreg s11  }
0x6d: {  	s13 =	sor.u32 $0x1C02, s11;
	s21 =	rddreg [dreg:$0xf]  }
0x6e: {  	[dreg:$0x1a] =	wrdreg s13  }
0x6f: {  	[spmem:s25] =	stream.linear.scatter [tilespmem:s29], [sflag:$0x3], $0x1F40, $0x38;
	[tilespmem:$0x10E90] =	vst v63  }
0x70: {  	s21 =	sshrl.u32 s21, $0x3;
	s25 =	rddreg [dreg:$0x10]  }
0x71: {  	[dreg:$0x1b] =	wrdreg s21  }
0x72: {  	[spmem:s21], [sflag:s13] =	dma.local [hbm:s25], $0x500  }
0x73: {  	_ =	swait.ge [sflag:s30], $0x1F40  }
0x74: {  	[sflag:s30] =	ssyncset.done $0x0  }
0x75: {  	[sflag:s30] =	ssyncadd.s32 $0xFFFFE0C0  }
0x76: {  	_ =	swait.ge [sflag:s30], $0x1F40  }
0x77: {  	[sflag:s30] =	ssyncset.done $0x0  }
0x78: {  	[sflag:s30] =	ssyncadd.s32 $0xFFFFE0C0  }
0x79: {  	_ =	swait.ge [sflag:s30], $0x1F40  }
0x7a: {  	[sflag:s30] =	ssyncset.done $0x0  }
0x7b: {  	[sflag:s30] =	ssyncadd.s32 $0xFFFFE0C0  }
0x7c: {  	_ =	swait.ge [sflag:s30], $0x1F40  }
0x7d: {  	[sflag:s30] =	ssyncset.done $0x0  }
0x7e: {  	[sflag:s30] =	ssyncadd.s32 $0xFFFFE0C0  }
0x7f: {  	_ =	swait.ge [sflag:s30], $0x1F40  }
0x80: {  	[sflag:s30] =	ssyncset.done $0x0  }
0x81: {  	[sflag:s30] =	ssyncadd.s32 $0xFFFFE0C0  }
0x82: {  	_ =	swait.ge [sflag:s31], $0x500  }
0x83: {  	[sflag:s31] =	ssyncset.done $0x0  }
0x84: {  	[sflag:s31] =	ssyncadd.s32 $0xFFFFFB00  }
0x85: {  	_ =	swait.ge [sflag:s0], $0x80  }
0x86: {  	[sflag:s0] =	ssyncset.done $0x0  }
0x87: {  	[sflag:s0] =	ssyncadd.s32 $0xFFFFFF80  }
0x88: {  	_ =	swait.ge [sflag:s0], $0x80  }
0x89: {  	[sflag:s0] =	ssyncset.done $0x0  }
0x8a: {  	s25 =	simm.s32 $0x80;
	[sflag:s0] =	ssyncadd.s32 $0xFFFFFF80  }
0x8b: {  	[tilespmem:s29], [sflag:$0x2] =	stream.indirect.gather [hbm4b:s5+s26], $0x40, s25, s26, $0xb8;
	[tilespmem:$0x10E90] =	vst v63  }
0x8c: {  	s25 =	simm.s32 $0x0;
	[bflag:$0x0] =	sbarrier.arrive $0xFFFF  }
.LBB2_4:
0x8d: {  	_ =	swait.ge [sflag:s1], $0x1F40  }
0x8e: {  	[sflag:s1] =	ssyncset.done $0x0  }
0x8f: {  	[sflag:s1] =	ssyncadd.s32 $0xFFFFE0C0  }
0x90: {  	[spmem:s3] =	stream.indirect.scatter.add.f32 [tilespmem:s6], [sflag:$0x3], $0x10, s10, s26, $0xb8;
	[tilespmem:$0x10E90] =	vst v63  }
0x91: {  	_ = 	snop  }
0x92: {  	[spmem:s2] =	stream.indirect.scatter.add.bf16 [tilespmem:s28], [sflag:$0x8], $0x40, s10, s26, $0xb8;
	[tilespmem:$0x10E90] =	vst v63  }
0x93: {  	_ =	swait.ge [sflag:s9], $0x1F40  }
0x94: {  	[sflag:s9] =	ssyncset.done $0x0  }
0x95: {  	[sflag:s9] =	ssyncadd.s32 $0xFFFFE0C0  }
0x96: {  	_ =	swait.ge [sflag:s30], $0x7D0  }
0x97: {  	p0 =	seq.s32 s25, $0x4C0;
	[sflag:s30] =	ssyncset.done $0x0  }
0x98: {  	s11 =	sadd.s32 @!p0 s25, s20;
	s21 =	simm.s32 @!p0 $0x0;
	[sflag:s30] =	ssyncadd.s32 $0xFFFFF830  }
0x99: {  	[tilespmem:s21], [sflag:$0x4] =	stream.linear.gather @!p0 [hbm4b:s11+s21], $0x80, $0x38;
	[tilespmem:$0x10E90] =	vst v63  }
0x9a: {  	s13 =	simm.s32 @!p0 $0x200;
	s11 =	sadd.s32 @!p0 s25, s19  }
0x9b: {  	[tilespmem:s13], [sflag:$0x4] =	stream.linear.gather @!p0 [hbm4b:s11+s21], $0x80, $0x38;
	[tilespmem:$0x10E90] =	vst v63  }
0x9c: {  	_ =	swait.ge [sflag:s7], $0x80  }
0x9d: {  	[sflag:s7] =	ssyncset.done $0x0  }
0x9e: {  	[sflag:s7] =	ssyncadd.s32 $0xFFFFFF80  }
0x9f: {  	_ =	swait.ge [sflag:s7], $0x80  }
0xa0: {  	[sflag:s7] =	ssyncset.done $0x0  }
0xa1: {  	s13 =	simm.s32 $0x100;
	[sflag:s7] =	ssyncadd.s32 $0xFFFFFF80  }
0xa2: {  	[tilespmem:s28], [sflag:$0x1] =	stream.indirect.gather [hbm4b:s5+s26], $0x40, s13, s26, $0xb8;
	[tilespmem:$0x10E90] =	vst v63  }
0xa3: {  	_ =	swait.ge [sflag:s31], $0x1F40  }
0xa4: {  	[sflag:s31] =	ssyncset.done $0x0  }
0xa5: {  	[sflag:s31] =	ssyncadd.s32 $0xFFFFE0C0  }
0xa6: {  	[spmem:s3] =	stream.indirect.scatter.add.f32 [tilespmem:s6], [sflag:$0x3], $0x10, s12, s26, $0xb8;
	[tilespmem:$0x10E90] =	vst v63  }
0xa7: {  	_ = 	snop  }
0xa8: {  	[spmem:s2] =	stream.indirect.scatter.add.bf16 [tilespmem:s29], [sflag:$0x8], $0x40, s12, s26, $0xb8;
	[tilespmem:$0x10E90] =	vst v63  }
0xa9: {  	_ =	swait.ge [sflag:s9], $0x1F40  }
0xaa: {  	[sflag:s9] =	ssyncset.done $0x0  }
0xab: {  	[sflag:s9] =	ssyncadd.s32 $0xFFFFE0C0  }
0xac: {  	_ =	swait.ge [sflag:s30], $0x7D0  }
0xad: {  	[sflag:s30] =	ssyncset.done $0x0  }
0xae: {  	s11 =	sadd.s32 @!p0 s25, s18;
	s13 =	simm.s32 @!p0 $0x80;
	[sflag:s30] =	ssyncadd.s32 $0xFFFFF830  }
0xaf: {  	[tilespmem:s13], [sflag:$0x5] =	stream.linear.gather @!p0 [hbm4b:s11+s21], $0x80, $0x38;
	[tilespmem:$0x10E90] =	vst v63  }
0xb0: {  	s11 =	sadd.s32 @!p0 s25, s17;
	s13 =	simm.s32 @!p0 $0x280  }
0xb1: {  	[tilespmem:s13], [sflag:$0x5] =	stream.linear.gather @!p0 [hbm4b:s11+s21], $0x80, $0x38;
	[tilespmem:$0x10E90] =	vst v63  }
0xb2: {  	_ =	swait.ge [sflag:s8], $0x80  }
0xb3: {  	[sflag:s8] =	ssyncset.done $0x0  }
0xb4: {  	[sflag:s8] =	ssyncadd.s32 $0xFFFFFF80  }
0xb5: {  	_ =	swait.ge [sflag:s8], $0x80  }
0xb6: {  	[sflag:s8] =	ssyncset.done $0x0  }
0xb7: {  	[sflag:s8] =	ssyncadd.s32 $0xFFFFFF80  }
0xb8: {  	[tilespmem:s29], [sflag:$0x2] =	stream.indirect.gather [hbm4b:s5+s26], $0x40, s23, s26, $0xb8;
	[tilespmem:$0x10E90] =	vst v63  }
0xb9: {  	_ =	swait.ge [sflag:s1], $0x1F40  }
0xba: {  	[sflag:s1] =	ssyncset.done $0x0  }
0xbb: {  	[sflag:s1] =	ssyncadd.s32 $0xFFFFE0C0  }
0xbc: {  	[spmem:s3] =	stream.indirect.scatter.add.f32 [tilespmem:s6], [sflag:$0x3], $0x10, s22, s26, $0xb8;
	[tilespmem:$0x10E90] =	vst v63  }
0xbd: {  	_ = 	snop  }
0xbe: {  	[spmem:s2] =	stream.indirect.scatter.add.bf16 [tilespmem:s28], [sflag:$0x8], $0x40, s22, s26, $0xb8;
	[tilespmem:$0x10E90] =	vst v63  }
0xbf: {  	_ =	swait.ge [sflag:s9], $0x1F40  }
0xc0: {  	[sflag:s9] =	ssyncset.done $0x0  }
0xc1: {  	[sflag:s9] =	ssyncadd.s32 $0xFFFFE0C0  }
0xc2: {  	_ =	swait.ge [sflag:s30], $0x7D0  }
0xc3: {  	[sflag:s30] =	ssyncset.done $0x0  }
0xc4: {  	s11 =	sadd.s32 @!p0 s25, s16;
	s13 =	simm.s32 @!p0 $0x100;
	[sflag:s30] =	ssyncadd.s32 $0xFFFFF830  }
0xc5: {  	[tilespmem:s13], [sflag:$0x6] =	stream.linear.gather @!p0 [hbm4b:s11+s21], $0x80, $0x38;
	[tilespmem:$0x10E90] =	vst v63  }
0xc6: {  	s11 =	sadd.s32 @!p0 s25, s15;
	s13 =	simm.s32 @!p0 $0x300  }
0xc7: {  	[tilespmem:s13], [sflag:$0x6] =	stream.linear.gather @!p0 [hbm4b:s11+s21], $0x80, $0x38;
	[tilespmem:$0x10E90] =	vst v63  }
0xc8: {  	s11 =	simm.s32 @!p0 $0x4  }
0xc9: {  	_ =	swait.ge @!p0 [sflag:s11], $0x80  }
0xca: {  	[sflag:s11] =	ssyncset.done @!p0 $0x0  }
0xcb: {  	[sflag:s11] =	ssyncadd.s32 @!p0 $0xFFFFFF80  }
0xcc: {  	_ =	swait.ge @!p0 [sflag:s11], $0x80  }
0xcd: {  	[sflag:s11] =	ssyncset.done @!p0 $0x0  }
0xce: {  	s13 =	simm.s32 @!p0 $0x400;
	[sflag:s11] =	ssyncadd.s32 @!p0 $0xFFFFFF80;
	s11 =	simm.s32 @!p0 $0x7D  }
0xcf: {  	[tilespmem:s13], [sflag:$0x1] =	stream.indirect.gather @!p0 [hbm4b:s5+s11], $0x40, s21, s11, $0xb8;
	[tilespmem:$0x10E90] =	vst v63  }
0xd0: {  	_ =	swait.ge [sflag:s31], $0x1F40  }
0xd1: {  	[sflag:s31] =	ssyncset.done $0x0  }
0xd2: {  	[sflag:s31] =	ssyncadd.s32 $0xFFFFE0C0  }
0xd3: {  	[spmem:s3] =	stream.indirect.scatter.add.f32 [tilespmem:s6], [sflag:$0x3], $0x10, s24, s26, $0xb8;
	[tilespmem:$0x10E90] =	vst v63  }
0xd4: {  	_ = 	snop  }
0xd5: {  	[spmem:s2] =	stream.indirect.scatter.add.bf16 [tilespmem:s29], [sflag:$0x8], $0x40, s24, s26, $0xb8;
	[tilespmem:$0x10E90] =	vst v63  }
0xd6: {  	_ =	swait.ge [sflag:s9], $0x1F40  }
.Ltmp3:
0xd7: {  	[sflag:s9] =	ssyncset.done $0x0;
	(pc) =	sbr.rel @p0 .LBB2_6-.Ltmp3, $4  }
0xd8: {  	[sflag:s9] =	ssyncadd.s32 $0xFFFFE0C0  }
0xd9: {  	_ =	swait.ge [sflag:s30], $0x7D0  }
0xda: {  	[sflag:s30] =	ssyncset.done $0x0  }
0xdb: {  	[sflag:s30] =	ssyncadd.s32 $0xFFFFF830  }
0xdc: {  	s11 =	sadd.s32 s25, s14;
	s13 =	rddreg [dreg:$0xc]  }
0xdd: {  	[tilespmem:s23], [sflag:$0x7] =	stream.linear.gather [hbm4b:s11+s4], $0x80, $0x38;
	[tilespmem:$0x10E90] =	vst v63  }
0xde: {  	s11 =	sadd.s32 s25, s13  }
0xdf: {  	[tilespmem:s24], [sflag:$0x7] =	stream.linear.gather [hbm4b:s11+s4], $0x80, $0x38;
	[tilespmem:$0x10E90] =	vst v63  }
0xe0: {  	_ =	swait.ge [sflag:s0], $0x80  }
0xe1: {  	[sflag:s0] =	ssyncset.done $0x0  }
.Ltmp4:
0xe2: {  	[sflag:s0] =	ssyncadd.s32 $0xFFFFFF80;
	(pc) =	sbr.rel .LBB2_4-.Ltmp4, $4  }
0xe3: {  	_ =	swait.ge [sflag:s0], $0x80  }
0xe4: {  	[sflag:s0] =	ssyncset.done $0x0  }
0xe5: {  	s21 =	simm.s32 $0x80;
	s25 =	sadd.s32 $0x40, s25;
	[sflag:s0] =	ssyncadd.s32 $0xFFFFFF80  }
0xe6: {  	[tilespmem:s29], [sflag:$0x2] =	stream.indirect.gather [hbm4b:s5+s26], $0x40, s21, s26, $0xb8;
	[tilespmem:$0x10E90] =	vst v63  }
.LBB2_7:
0xe7: {  	_ =	sfence.sel $0x180000  }
0xe8: {  	[bflag:$0x0] =	sbarrier.arrive $0xFFFF  }
0xe9: {  	_ =	strace $0x90000047  }
0xea: {  	s0 =	stileid.u32;
	[bflag:$0x2] =	sbarrier.arrive $0xFFFF  }
0xeb: {  	p0 =	sne.s32 s0, $0x0;
	s0 =	rddreg [dreg:$0x4]  }
0xec: {  	s0 =	sadd.s32 @!p0 $0x100000, s0  }
0xed: {  	[sflag:s0] =	ssyncadd.tile.s32 @!p0 $0x1;
	_ =	shalt  }
.Lfunc_end2:
_tile_overlayer_lowered:
.L_overlay_start_2:
0xee: {  	(tag) =	ssettag $0x2  }
0xef: {  	s0 =	rddreg [dreg:$0x0];
	s2 =	stileid.u32  }
0xf0: {  	s1 =	rddreg [dreg:$0x1];
	p0 =	sne.s32 s2, $0x0  }
0xf1: {  	s3 =	rddreg [dreg:$0x2];
	[bflag:$0x3] =	sbarrier.arrive $0xFFFF;
	s2 =	simm.s32 @!p0 $0x1C08  }
0xf2: {  	[timem:s3], [sflag:s2] =	dma.local @!p0 [hbm:s0], s1  }
0xf3: {  	s0 =	simm.s32 @!p0 $0x8  }
0xf4: {  	_ =	swait.ge @!p0 [sflag:s0], s1  }
0xf5: {  	s1 =	ssub.s32 @!p0 $0x0, s1;
	[sflag:s0] =	ssyncset.done @!p0 $0x0  }
0xf6: {  	[sflag:s0] =	ssyncadd.s32 @!p0 s1  }
0xf7: {  	[bflag:$0x3] =	sbarrier.arrive $0xFFFF  }
0xf8: {  	_ =	shalt  }

</sc_bundles>
